<compile_context>
chip_gen: v7x
topology: tpu7x:2x2x1
jax: 0.10.2.dev20260603
libtpu: 0.0.44.dev20260713+nightly
codegen_flags: <defaults>
</compile_context>

<pallas_src>
import functools

import jax
import jax.numpy as jnp
from jax import lax
from jax.experimental import pallas as pl
from jax.experimental.pallas import tpu as pltpu
from jax.experimental.pallas import tpu_sc as plsc

_B = 16384
_L = 20
_EMBED = 64
_NW = 32
_BC = 256
_NBC = _B // (_NW * _BC)

_mesh = plsc.VectorSubcoreMesh(
    core_axis_name="c", subcore_axis_name="s", num_cores=2, num_subcores=16
)


@functools.partial(
    pl.kernel,
    out_type=jax.ShapeDtypeStruct((_L, _EMBED, _B), jnp.float32),
    mesh=_mesh,
    scratch_types=[
        pltpu.VMEM((_L, _BC), jnp.int32),
        pltpu.VMEM((_BC, _EMBED), jnp.float32),
        pltpu.VMEM((_BC, _EMBED), jnp.float32),
        pltpu.VMEM((_EMBED, _BC), jnp.float32),
        pltpu.VMEM((_EMBED, _BC), jnp.float32),
        pltpu.VMEM((32, _EMBED), jnp.float32),
        pltpu.SemaphoreType.DMA,
        pltpu.SemaphoreType.DMA,
        pltpu.SemaphoreType.DMA,
        pltpu.SemaphoreType.DMA,
    ],
    compiler_params=pltpu.CompilerParams(
        use_tc_tiling_on_sc=False, needs_layout_passes=False
    ),
)
def _emb_lookup(
    xt_hbm, wemb_hbm, pemb_hbm, out_hbm,
    idx_v, rows0, rows1, outb0, outb1, pos_v, g0, g1, w0, w1,
):
    wid = lax.axis_index("s") * 2 + lax.axis_index("c")
    pltpu.sync_copy(pemb_hbm, pos_v)
    rows = [rows0, rows1]
    outb = [outb0, outb1]
    gsem = [g0, g1]
    wsem = [w0, w1]
    lane = lax.broadcasted_iota(jnp.int32, (16,), 0)
    rowsel = [(lane + k) & 15 for k in range(16)]

    for bc in range(_NBC):
        b0 = wid * _BC + bc * (_NW * _BC)
        pltpu.sync_copy(xt_hbm.at[:, pl.ds(b0, _BC)], idx_v)
        pltpu.async_copy(wemb_hbm.at[idx_v.at[0]], rows[0], gsem[0])

        def pair_body(p, carry):
            for s in range(2):
                l = 2 * p + s
                pltpu.make_async_copy(
                    wemb_hbm.at[pl.ds(0, _BC)], rows[s], gsem[s]
                ).wait()

                @pl.when(l + 1 < _L)
                def _():
                    pltpu.async_copy(
                        wemb_hbm.at[idx_v.at[l + 1]], rows[1 - s], gsem[1 - s]
                    )

                @pl.when(l >= 2)
                def _():
                    pltpu.make_async_copy(
                        outb[s], out_hbm.at[0, :, pl.ds(b0, _BC)], wsem[s]
                    ).wait()

                splat_l = jnp.broadcast_to(l, (16,))

                def eg_body(eg, c3):
                    col_e = lane + eg * 16
                    pvec = plsc.load_gather(pos_v, [splat_l, col_e])

                    def bg_body(bg, c4):
                        br0 = bg * 16
                        for k in range(16):
                            rsel = rowsel[k] + br0
                            vals = plsc.load_gather(rows[s], [rsel, col_e])
                            plsc.store_scatter(outb[s], [col_e, rsel], vals + pvec)
                        return c4

                    lax.fori_loop(0, _BC // 16, bg_body, 0)
                    return c3

                lax.fori_loop(0, _EMBED // 16, eg_body, 0)
                pltpu.async_copy(outb[s], out_hbm.at[l, :, pl.ds(b0, _BC)], wsem[s])
            return carry

        lax.fori_loop(0, _L // 2, pair_body, 0)
        for s in range(2):
            pltpu.make_async_copy(
                outb[s], out_hbm.at[0, :, pl.ds(b0, _BC)], wsem[s]
            ).wait()


def kernel(x, word_emb, pos_emb):
    out_t = _emb_lookup(x.T, word_emb, pos_emb)
    return jnp.transpose(out_t, (2, 0, 1))

# --- scband reference (transcript-rebuilt; emitter-appended) ---
"""Pipeline reference for scband-positional-encoding-77232101917199 (READ-ONLY COPY).

The authoritative reference and input builder live on the scoring server;
editing this copy changes nothing except your own understanding.
"""

import jax, jax.numpy as jnp
import numpy as np

VOCAB = 1000000
EMBED = 64
BLOCK = 32
B = 16384
L = 20

def setup_inputs(seed: int = 0) -> dict:
    key = jax.random.key(seed)
    k1, k2, k3 = jax.random.split(key, 3)
    x = jax.random.randint(k1, (B, L), 0, VOCAB, dtype=jnp.int64 if jax.config.jax_enable_x64 else jnp.int32).astype(jnp.int32)
    word_emb = jax.random.normal(k2, (VOCAB, EMBED), dtype=jnp.float32)
    pos_emb = jax.random.normal(k3, (BLOCK, EMBED), dtype=jnp.float32)
    return {"x": x, "word_emb": word_emb, "pos_emb": pos_emb}

def reference(x, word_emb, pos_emb):
    # word_embedding(x): gather rows of word_emb
    we = jnp.take(word_emb, x, axis=0)  # [B, L, EMBED]
    # position_embedding(arange(L)).unsqueeze(0): broadcast over batch
    positions = jnp.arange(0, x.shape[1])
    pe = jnp.take(pos_emb, positions, axis=0)[None, :, :]  # [1, L, EMBED]
    return we + pe

if __name__ == "__main__":
    import jax
    _d = setup_inputs()
    print(jax.jit(kernel)(*tuple(_d.values())))

</pallas_src>

<mosaic_0001>
#map = affine_map<(d0, d1) -> (0, 0)>
#map1 = affine_map<(d0, d1) -> (0, 0, 0)>
module attributes {stable_mosaic.version = 14 : i64} {
  func.func @_emb_lookup(%arg0: i32, %arg1: i32, %arg2: memref<20x16384xi32, #tpu.memory_space<hbm>>, %arg3: memref<1000000x64xf32, #tpu.memory_space<hbm>>, %arg4: memref<32x64xf32, #tpu.memory_space<hbm>>, %arg5: memref<20x64x16384xf32, #tpu.memory_space<hbm>>, %arg6: memref<20x256xi32, #tpu.memory_space<vmem>>, %arg7: memref<256x64xf32, #tpu.memory_space<vmem>>, %arg8: memref<256x64xf32, #tpu.memory_space<vmem>>, %arg9: memref<64x256xf32, #tpu.memory_space<vmem>>, %arg10: memref<64x256xf32, #tpu.memory_space<vmem>>, %arg11: memref<32x64xf32, #tpu.memory_space<vmem>>, %arg12: memref<!tpu.dma_semaphore, #tpu.memory_space<semaphore_mem>>, %arg13: memref<!tpu.dma_semaphore, #tpu.memory_space<semaphore_mem>>, %arg14: memref<!tpu.dma_semaphore, #tpu.memory_space<semaphore_mem>>, %arg15: memref<!tpu.dma_semaphore, #tpu.memory_space<semaphore_mem>>) attributes {dimension_semantics = [#tpu.dimension_semantics<core_parallel>, #tpu.dimension_semantics<subcore_parallel>], iteration_bounds = array<i64: 2, 16>, scalar_prefetch = 0 : i64, scratch_operands = 10 : i64, tpu.core_type = #tpu.core_type<sc_vector_subcore>, window_params = [{transform_indices = #map}, {transform_indices = #map}, {transform_indices = #map}, {transform_indices = #map1}]} {
    %mul3A = arith.constant 2 : i32
    %mul3A_0 = arith.muli %arg1, %mul3A : i32
    %add3A = arith.addi %mul3A_0, %arg0 : i32
    "tpu.region"() ({
      %run_scoped3A = tpu.sem_alloc : memref<!tpu.dma_semaphore, #tpu.memory_space<semaphore_mem>>
      tpu.enqueue_dma source(%arg4 : memref<32x64xf32, #tpu.memory_space<hbm>>) target(%arg11 : memref<32x64xf32, #tpu.memory_space<vmem>>) target_semaphore(%run_scoped3A : memref<!tpu.dma_semaphore, #tpu.memory_space<semaphore_mem>>)
      tpu.wait_dma2 semaphore(%run_scoped3A : memref<!tpu.dma_semaphore, #tpu.memory_space<semaphore_mem>>) src(%arg4 : memref<32x64xf32, #tpu.memory_space<hbm>>) dst(%arg11 : memref<32x64xf32, #tpu.memory_space<vmem>>)
      tpu.yield
    }) : () -> ()
    %iota3A = tpu.iota {dimensions = array<i32: 0>} : vector<16xi32>
    %add3A_1 = arith.constant 0 : i32
    %add3A_2 = vector.broadcast %add3A_1 : i32 to vector<16xi32>
    %add3A_3 = arith.addi %iota3A, %add3A_2 : vector<16xi32>
    %and3A = arith.constant 15 : i32
    %and3A_4 = vector.broadcast %and3A : i32 to vector<16xi32>
    %and3A_5 = arith.andi %add3A_3, %and3A_4 : vector<16xi32>
    %add3A_6 = arith.constant 1 : i32
    %add3A_7 = vector.broadcast %add3A_6 : i32 to vector<16xi32>
    %add3A_8 = arith.addi %iota3A, %add3A_7 : vector<16xi32>
    %and3A_9 = arith.constant 15 : i32
    %and3A_10 = vector.broadcast %and3A_9 : i32 to vector<16xi32>
    %and3A_11 = arith.andi %add3A_8, %and3A_10 : vector<16xi32>
    %add3A_12 = arith.constant 2 : i32
    %add3A_13 = vector.broadcast %add3A_12 : i32 to vector<16xi32>
    %add3A_14 = arith.addi %iota3A, %add3A_13 : vector<16xi32>
    %and3A_15 = arith.constant 15 : i32
    %and3A_16 = vector.broadcast %and3A_15 : i32 to vector<16xi32>
    %and3A_17 = arith.andi %add3A_14, %and3A_16 : vector<16xi32>
    %add3A_18 = arith.constant 3 : i32
    %add3A_19 = vector.broadcast %add3A_18 : i32 to vector<16xi32>
    %add3A_20 = arith.addi %iota3A, %add3A_19 : vector<16xi32>
    %and3A_21 = arith.constant 15 : i32
    %and3A_22 = vector.broadcast %and3A_21 : i32 to vector<16xi32>
    %and3A_23 = arith.andi %add3A_20, %and3A_22 : vector<16xi32>
    %add3A_24 = arith.constant 4 : i32
    %add3A_25 = vector.broadcast %add3A_24 : i32 to vector<16xi32>
    %add3A_26 = arith.addi %iota3A, %add3A_25 : vector<16xi32>
    %and3A_27 = arith.constant 15 : i32
    %and3A_28 = vector.broadcast %and3A_27 : i32 to vector<16xi32>
    %and3A_29 = arith.andi %add3A_26, %and3A_28 : vector<16xi32>
    %add3A_30 = arith.constant 5 : i32
    %add3A_31 = vector.broadcast %add3A_30 : i32 to vector<16xi32>
    %add3A_32 = arith.addi %iota3A, %add3A_31 : vector<16xi32>
    %and3A_33 = arith.constant 15 : i32
    %and3A_34 = vector.broadcast %and3A_33 : i32 to vector<16xi32>
    %and3A_35 = arith.andi %add3A_32, %and3A_34 : vector<16xi32>
    %add3A_36 = arith.constant 6 : i32
    %add3A_37 = vector.broadcast %add3A_36 : i32 to vector<16xi32>
    %add3A_38 = arith.addi %iota3A, %add3A_37 : vector<16xi32>
    %and3A_39 = arith.constant 15 : i32
    %and3A_40 = vector.broadcast %and3A_39 : i32 to vector<16xi32>
    %and3A_41 = arith.andi %add3A_38, %and3A_40 : vector<16xi32>
    %add3A_42 = arith.constant 7 : i32
    %add3A_43 = vector.broadcast %add3A_42 : i32 to vector<16xi32>
    %add3A_44 = arith.addi %iota3A, %add3A_43 : vector<16xi32>
    %and3A_45 = arith.constant 15 : i32
    %and3A_46 = vector.broadcast %and3A_45 : i32 to vector<16xi32>
    %and3A_47 = arith.andi %add3A_44, %and3A_46 : vector<16xi32>
    %add3A_48 = arith.constant 8 : i32
    %add3A_49 = vector.broadcast %add3A_48 : i32 to vector<16xi32>
    %add3A_50 = arith.addi %iota3A, %add3A_49 : vector<16xi32>
    %and3A_51 = arith.constant 15 : i32
    %and3A_52 = vector.broadcast %and3A_51 : i32 to vector<16xi32>
    %and3A_53 = arith.andi %add3A_50, %and3A_52 : vector<16xi32>
    %add3A_54 = arith.constant 9 : i32
    %add3A_55 = vector.broadcast %add3A_54 : i32 to vector<16xi32>
    %add3A_56 = arith.addi %iota3A, %add3A_55 : vector<16xi32>
    %and3A_57 = arith.constant 15 : i32
    %and3A_58 = vector.broadcast %and3A_57 : i32 to vector<16xi32>
    %and3A_59 = arith.andi %add3A_56, %and3A_58 : vector<16xi32>
    %add3A_60 = arith.constant 10 : i32
    %add3A_61 = vector.broadcast %add3A_60 : i32 to vector<16xi32>
    %add3A_62 = arith.addi %iota3A, %add3A_61 : vector<16xi32>
    %and3A_63 = arith.constant 15 : i32
    %and3A_64 = vector.broadcast %and3A_63 : i32 to vector<16xi32>
    %and3A_65 = arith.andi %add3A_62, %and3A_64 : vector<16xi32>
    %add3A_66 = arith.constant 11 : i32
    %add3A_67 = vector.broadcast %add3A_66 : i32 to vector<16xi32>
    %add3A_68 = arith.addi %iota3A, %add3A_67 : vector<16xi32>
    %and3A_69 = arith.constant 15 : i32
    %and3A_70 = vector.broadcast %and3A_69 : i32 to vector<16xi32>
    %and3A_71 = arith.andi %add3A_68, %and3A_70 : vector<16xi32>
    %add3A_72 = arith.constant 12 : i32
    %add3A_73 = vector.broadcast %add3A_72 : i32 to vector<16xi32>
    %add3A_74 = arith.addi %iota3A, %add3A_73 : vector<16xi32>
    %and3A_75 = arith.constant 15 : i32
    %and3A_76 = vector.broadcast %and3A_75 : i32 to vector<16xi32>
    %and3A_77 = arith.andi %add3A_74, %and3A_76 : vector<16xi32>
    %add3A_78 = arith.constant 13 : i32
    %add3A_79 = vector.broadcast %add3A_78 : i32 to vector<16xi32>
    %add3A_80 = arith.addi %iota3A, %add3A_79 : vector<16xi32>
    %and3A_81 = arith.constant 15 : i32
    %and3A_82 = vector.broadcast %and3A_81 : i32 to vector<16xi32>
    %and3A_83 = arith.andi %add3A_80, %and3A_82 : vector<16xi32>
    %add3A_84 = arith.constant 14 : i32
    %add3A_85 = vector.broadcast %add3A_84 : i32 to vector<16xi32>
    %add3A_86 = arith.addi %iota3A, %add3A_85 : vector<16xi32>
    %and3A_87 = arith.constant 15 : i32
    %and3A_88 = vector.broadcast %and3A_87 : i32 to vector<16xi32>
    %and3A_89 = arith.andi %add3A_86, %and3A_88 : vector<16xi32>
    %add3A_90 = arith.constant 15 : i32
    %add3A_91 = vector.broadcast %add3A_90 : i32 to vector<16xi32>
    %add3A_92 = arith.addi %iota3A, %add3A_91 : vector<16xi32>
    %and3A_93 = arith.constant 15 : i32
    %and3A_94 = vector.broadcast %and3A_93 : i32 to vector<16xi32>
    %and3A_95 = arith.andi %add3A_92, %and3A_94 : vector<16xi32>
    %mul3A_96 = arith.constant 256 : i32
    %mul3A_97 = arith.muli %add3A, %mul3A_96 : i32
    %add3A_98 = arith.constant 0 : i32
    %add3A_99 = arith.addi %mul3A_97, %add3A_98 : i32
    "tpu.region"() ({
      %run_scoped3A = tpu.sem_alloc : memref<!tpu.dma_semaphore, #tpu.memory_space<semaphore_mem>>
      %dma_start3A_155 = arith.constant 0 : i32
      %dma_start3A_156 = tpu.memref_slice %arg2[%dma_start3A_155, %add3A_99] : memref<20x16384xi32, #tpu.memory_space<hbm>> -> memref<20x256xi32, #tpu.memory_space<hbm>>
      %dma_start3A_157 = arith.constant 0 : i32
      %dma_start3A_158 = tpu.memref_slice %arg2[%dma_start3A_157, %add3A_99] : memref<20x16384xi32, #tpu.memory_space<hbm>> -> memref<20x256xi32, #tpu.memory_space<hbm>>
      tpu.enqueue_dma source(%dma_start3A_158 : memref<20x256xi32, #tpu.memory_space<hbm>>) target(%arg6 : memref<20x256xi32, #tpu.memory_space<vmem>>) target_semaphore(%run_scoped3A : memref<!tpu.dma_semaphore, #tpu.memory_space<semaphore_mem>>)
      %dma_wait3A_159 = arith.constant 0 : i32
      %dma_wait3A_160 = tpu.memref_slice %arg2[%dma_wait3A_159, %add3A_99] : memref<20x16384xi32, #tpu.memory_space<hbm>> -> memref<20x256xi32, #tpu.memory_space<hbm>>
      %dma_wait3A_161 = arith.constant 0 : i32
      %dma_wait3A_162 = tpu.memref_slice %arg2[%dma_wait3A_161, %add3A_99] : memref<20x16384xi32, #tpu.memory_space<hbm>> -> memref<20x256xi32, #tpu.memory_space<hbm>>
      tpu.wait_dma2 semaphore(%run_scoped3A : memref<!tpu.dma_semaphore, #tpu.memory_space<semaphore_mem>>) src(%dma_wait3A_162 : memref<20x256xi32, #tpu.memory_space<hbm>>) dst(%arg6 : memref<20x256xi32, #tpu.memory_space<vmem>>)
      tpu.yield
    }) : () -> ()
    %dma_start3A = arith.constant 0 : i32
    %dma_start3A_100 = arith.constant 0 : i32
    %dma_start3A_101 = tpu.memref_slice %arg6[%dma_start3A, %dma_start3A_100] : memref<20x256xi32, #tpu.memory_space<vmem>> -> memref<1x256xi32, #tpu.memory_space<vmem>>
    %dma_start3A_102 = tpu.memref_squeeze %dma_start3A_101 : memref<1x256xi32, #tpu.memory_space<vmem>> -> memref<256xi32, #tpu.memory_space<vmem>>
    %dma_start3A_103 = arith.constant 0 : i32
    %dma_start3A_104 = arith.constant 0 : i32
    %dma_start3A_105 = tpu.memref_slice %arg3[%dma_start3A_103, %dma_start3A_104] : memref<1000000x64xf32, #tpu.memory_space<hbm>> -> memref<1000000x64xf32, #tpu.memory_space<hbm>>
    tpu.enqueue_indirect_dma source(%dma_start3A_105 : memref<1000000x64xf32, #tpu.memory_space<hbm>>) target(%arg7 : memref<256x64xf32, #tpu.memory_space<vmem>>) offsets(%dma_start3A_102 : memref<256xi32, #tpu.memory_space<vmem>>) semaphore(%arg12 : memref<!tpu.dma_semaphore, #tpu.memory_space<semaphore_mem>>)
    %scan3A = arith.constant 0 : i32
    %scan3A_106 = arith.constant 0 : i32
    %scan3A_107 = arith.constant 10 : i32
    %scan3A_108 = arith.addi %scan3A_106, %scan3A_107 : i32
    %scan3A_109 = arith.constant 1 : i32
    scf.for %scan3A_155 = %scan3A_106 to %scan3A_108 step %scan3A_109  : i32 {
      %mul3A_156 = arith.constant 2 : i32
      %mul3A_157 = arith.muli %mul3A_156, %scan3A_155 : i32
      %add3A_158 = arith.constant 0 : i32
      %add3A_159 = arith.addi %mul3A_157, %add3A_158 : i32
      %dma_wait3A_160 = arith.constant 0 : i32
      %dma_wait3A_161 = arith.constant 0 : i32
      %dma_wait3A_162 = tpu.memref_slice %arg3[%dma_wait3A_160, %dma_wait3A_161] : memref<1000000x64xf32, #tpu.memory_space<hbm>> -> memref<256x64xf32, #tpu.memory_space<hbm>>
      %dma_wait3A_163 = arith.constant 0 : i32
      %dma_wait3A_164 = arith.constant 0 : i32
      %dma_wait3A_165 = tpu.memref_slice %arg3[%dma_wait3A_163, %dma_wait3A_164] : memref<1000000x64xf32, #tpu.memory_space<hbm>> -> memref<256x64xf32, #tpu.memory_space<hbm>>
      tpu.wait_dma2 semaphore(%arg12 : memref<!tpu.dma_semaphore, #tpu.memory_space<semaphore_mem>>) src(%dma_wait3A_165 : memref<256x64xf32, #tpu.memory_space<hbm>>) dst(%arg7 : memref<256x64xf32, #tpu.memory_space<vmem>>)
      %add3A_166 = arith.constant 1 : i32
      %add3A_167 = arith.addi %add3A_159, %add3A_166 : i32
      %lt3A = arith.constant 20 : i32
      %lt3A_168 = arith.cmpi slt, %add3A_167, %lt3A : i32
      %convert_element_type3A = arith.extui %lt3A_168 : i1 to i32
      %cond3A = arith.constant 0 : i32
      %cond3A_169 = arith.cmpi ne, %convert_element_type3A, %cond3A : i32
      scf.if %cond3A_169 {
        %add3A_221 = arith.constant 1 : i32
        %add3A_222 = arith.addi %add3A_159, %add3A_221 : i32
        %dma_start3A_223 = arith.constant 0 : i32
        %dma_start3A_224 = tpu.memref_slice %arg6[%add3A_222, %dma_start3A_223] : memref<20x256xi32, #tpu.memory_space<vmem>> -> memref<1x256xi32, #tpu.memory_space<vmem>>
        %dma_start3A_225 = tpu.memref_squeeze %dma_start3A_224 : memref<1x256xi32, #tpu.memory_space<vmem>> -> memref<256xi32, #tpu.memory_space<vmem>>
        %dma_start3A_226 = arith.constant 0 : i32
        %dma_start3A_227 = arith.constant 0 : i32
        %dma_start3A_228 = tpu.memref_slice %arg3[%dma_start3A_226, %dma_start3A_227] : memref<1000000x64xf32, #tpu.memory_space<hbm>> -> memref<1000000x64xf32, #tpu.memory_space<hbm>>
        tpu.enqueue_indirect_dma source(%dma_start3A_228 : memref<1000000x64xf32, #tpu.memory_space<hbm>>) target(%arg8 : memref<256x64xf32, #tpu.memory_space<vmem>>) offsets(%dma_start3A_225 : memref<256xi32, #tpu.memory_space<vmem>>) semaphore(%arg13 : memref<!tpu.dma_semaphore, #tpu.memory_space<semaphore_mem>>)
      } else {
      }
      %ge3A = arith.constant 2 : i32
      %ge3A_170 = arith.cmpi sge, %add3A_159, %ge3A : i32
      %convert_element_type3A_171 = arith.extui %ge3A_170 : i1 to i32
      %cond3A_172 = arith.constant 0 : i32
      %cond3A_173 = arith.cmpi ne, %convert_element_type3A_171, %cond3A_172 : i32
      scf.if %cond3A_173 {
        %dma_wait3A_221 = arith.constant 0 : i32
        %dma_wait3A_222 = arith.constant 0 : i32
        %dma_wait3A_223 = tpu.memref_slice %arg5[%dma_wait3A_221, %dma_wait3A_222, %add3A_99] : memref<20x64x16384xf32, #tpu.memory_space<hbm>> -> memref<1x64x256xf32, #tpu.memory_space<hbm>>
        %dma_wait3A_224 = tpu.memref_squeeze %dma_wait3A_223 : memref<1x64x256xf32, #tpu.memory_space<hbm>> -> memref<64x256xf32, #tpu.memory_space<hbm>>
        %dma_wait3A_225 = arith.constant 0 : i32
        %dma_wait3A_226 = tpu.memref_slice %arg5[%dma_wait3A_221, %dma_wait3A_225, %add3A_99] : memref<20x64x16384xf32, #tpu.memory_space<hbm>> -> memref<1x64x256xf32, #tpu.memory_space<hbm>>
        %dma_wait3A_227 = tpu.memref_squeeze %dma_wait3A_226 : memref<1x64x256xf32, #tpu.memory_space<hbm>> -> memref<64x256xf32, #tpu.memory_space<hbm>>
        tpu.wait_dma2 semaphore(%arg14 : memref<!tpu.dma_semaphore, #tpu.memory_space<semaphore_mem>>) src(%arg9 : memref<64x256xf32, #tpu.memory_space<vmem>>) dst(%dma_wait3A_227 : memref<64x256xf32, #tpu.memory_space<hbm>>)
      } else {
      }
      %broadcast_in_dim3A = vector.broadcast %add3A_159 : i32 to vector<16xi32>
      %scan3A_174 = arith.constant 0 : i32
      %scan3A_175 = arith.constant 0 : i32
      %scan3A_176 = arith.constant 4 : i32
      %scan3A_177 = arith.addi %scan3A_175, %scan3A_176 : i32
      %scan3A_178 = arith.constant 1 : i32
      scf.for %scan3A_221 = %scan3A_175 to %scan3A_177 step %scan3A_178  : i32 {
        %mul3A_222 = arith.constant 16 : i32
        %mul3A_223 = arith.muli %scan3A_221, %mul3A_222 : i32
        %add3A_224 = vector.broadcast %mul3A_223 : i32 to vector<16xi32>
        %add3A_225 = arith.addi %iota3A, %add3A_224 : vector<16xi32>
        %gather3A = tpu.vector_load_idx %arg11[%broadcast_in_dim3A, %add3A_225] : memref<32x64xf32, #tpu.memory_space<vmem>>[vector<16xi32>, vector<16xi32>], vector<16xf32>,
        %scan3A_226 = arith.constant 0 : i32
        %scan3A_227 = arith.constant 0 : i32
        %scan3A_228 = arith.constant 16 : i32
        %scan3A_229 = arith.addi %scan3A_227, %scan3A_228 : i32
        %scan3A_230 = arith.constant 1 : i32
        scf.for %scan3A_232 = %scan3A_227 to %scan3A_229 step %scan3A_230  : i32 {
          %mul3A_233 = arith.constant 16 : i32
          %mul3A_234 = arith.muli %scan3A_232, %mul3A_233 : i32
          %add3A_235 = vector.broadcast %mul3A_234 : i32 to vector<16xi32>
          %add3A_236 = arith.addi %and3A_5, %add3A_235 : vector<16xi32>
          %gather3A_237 = tpu.vector_load_idx %arg7[%add3A_236, %add3A_225] : memref<256x64xf32, #tpu.memory_space<vmem>>[vector<16xi32>, vector<16xi32>], vector<16xf32>,
          %add3A_238 = arith.addf %gather3A_237, %gather3A : vector<16xf32>
          tpu.vector_store_idx %arg9[%add3A_225, %add3A_236], %add3A_238 : memref<64x256xf32, #tpu.memory_space<vmem>>[vector<16xi32>, vector<16xi32>], vector<16xf32>,
          %add3A_239 = vector.broadcast %mul3A_234 : i32 to vector<16xi32>
          %add3A_240 = arith.addi %and3A_11, %add3A_239 : vector<16xi32>
          %gather3A_241 = tpu.vector_load_idx %arg7[%add3A_240, %add3A_225] : memref<256x64xf32, #tpu.memory_space<vmem>>[vector<16xi32>, vector<16xi32>], vector<16xf32>,
          %add3A_242 = arith.addf %gather3A_241, %gather3A : vector<16xf32>
          tpu.vector_store_idx %arg9[%add3A_225, %add3A_240], %add3A_242 : memref<64x256xf32, #tpu.memory_space<vmem>>[vector<16xi32>, vector<16xi32>], vector<16xf32>,
          %add3A_243 = vector.broadcast %mul3A_234 : i32 to vector<16xi32>
          %add3A_244 = arith.addi %and3A_17, %add3A_243 : vector<16xi32>
          %gather3A_245 = tpu.vector_load_idx %arg7[%add3A_244, %add3A_225] : memref<256x64xf32, #tpu.memory_space<vmem>>[vector<16xi32>, vector<16xi32>], vector<16xf32>,
          %add3A_246 = arith.addf %gather3A_245, %gather3A : vector<16xf32>
          tpu.vector_store_idx %arg9[%add3A_225, %add3A_244], %add3A_246 : memref<64x256xf32, #tpu.memory_space<vmem>>[vector<16xi32>, vector<16xi32>], vector<16xf32>,
          %add3A_247 = vector.broadcast %mul3A_234 : i32 to vector<16xi32>
          %add3A_248 = arith.addi %and3A_23, %add3A_247 : vector<16xi32>
          %gather3A_249 = tpu.vector_load_idx %arg7[%add3A_248, %add3A_225] : memref<256x64xf32, #tpu.memory_space<vmem>>[vector<16xi32>, vector<16xi32>], vector<16xf32>,
          %add3A_250 = arith.addf %gather3A_249, %gather3A : vector<16xf32>
          tpu.vector_store_idx %arg9[%add3A_225, %add3A_248], %add3A_250 : memref<64x256xf32, #tpu.memory_space<vmem>>[vector<16xi32>, vector<16xi32>], vector<16xf32>,
          %add3A_251 = vector.broadcast %mul3A_234 : i32 to vector<16xi32>
          %add3A_252 = arith.addi %and3A_29, %add3A_251 : vector<16xi32>
          %gather3A_253 = tpu.vector_load_idx %arg7[%add3A_252, %add3A_225] : memref<256x64xf32, #tpu.memory_space<vmem>>[vector<16xi32>, vector<16xi32>], vector<16xf32>,
          %add3A_254 = arith.addf %gather3A_253, %gather3A : vector<16xf32>
          tpu.vector_store_idx %arg9[%add3A_225, %add3A_252], %add3A_254 : memref<64x256xf32, #tpu.memory_space<vmem>>[vector<16xi32>, vector<16xi32>], vector<16xf32>,
          %add3A_255 = vector.broadcast %mul3A_234 : i32 to vector<16xi32>
          %add3A_256 = arith.addi %and3A_35, %add3A_255 : vector<16xi32>
          %gather3A_257 = tpu.vector_load_idx %arg7[%add3A_256, %add3A_225] : memref<256x64xf32, #tpu.memory_space<vmem>>[vector<16xi32>, vector<16xi32>], vector<16xf32>,
          %add3A_258 = arith.addf %gather3A_257, %gather3A : vector<16xf32>
          tpu.vector_store_idx %arg9[%add3A_225, %add3A_256], %add3A_258 : memref<64x256xf32, #tpu.memory_space<vmem>>[vector<16xi32>, vector<16xi32>], vector<16xf32>,
          %add3A_259 = vector.broadcast %mul3A_234 : i32 to vector<16xi32>
          %add3A_260 = arith.addi %and3A_41, %add3A_259 : vector<16xi32>
          %gather3A_261 = tpu.vector_load_idx %arg7[%add3A_260, %add3A_225] : memref<256x64xf32, #tpu.memory_space<vmem>>[vector<16xi32>, vector<16xi32>], vector<16xf32>,
          %add3A_262 = arith.addf %gather3A_261, %gather3A : vector<16xf32>
          tpu.vector_store_idx %arg9[%add3A_225, %add3A_260], %add3A_262 : memref<64x256xf32, #tpu.memory_space<vmem>>[vector<16xi32>, vector<16xi32>], vector<16xf32>,
          %add3A_263 = vector.broadcast %mul3A_234 : i32 to vector<16xi32>
          %add3A_264 = arith.addi %and3A_47, %add3A_263 : vector<16xi32>
          %gather3A_265 = tpu.vector_load_idx %arg7[%add3A_264, %add3A_225] : memref<256x64xf32, #tpu.memory_space<vmem>>[vector<16xi32>, vector<16xi32>], vector<16xf32>,
          %add3A_266 = arith.addf %gather3A_265, %gather3A : vector<16xf32>
          tpu.vector_store_idx %arg9[%add3A_225, %add3A_264], %add3A_266 : memref<64x256xf32, #tpu.memory_space<vmem>>[vector<16xi32>, vector<16xi32>], vector<16xf32>,
          %add3A_267 = vector.broadcast %mul3A_234 : i32 to vector<16xi32>
          %add3A_268 = arith.addi %and3A_53, %add3A_267 : vector<16xi32>
          %gather3A_269 = tpu.vector_load_idx %arg7[%add3A_268, %add3A_225] : memref<256x64xf32, #tpu.memory_space<vmem>>[vector<16xi32>, vector<16xi32>], vector<16xf32>,
          %add3A_270 = arith.addf %gather3A_269, %gather3A : vector<16xf32>
          tpu.vector_store_idx %arg9[%add3A_225, %add3A_268], %add3A_270 : memref<64x256xf32, #tpu.memory_space<vmem>>[vector<16xi32>, vector<16xi32>], vector<16xf32>,
          %add3A_271 = vector.broadcast %mul3A_234 : i32 to vector<16xi32>
          %add3A_272 = arith.addi %and3A_59, %add3A_271 : vector<16xi32>
          %gather3A_273 = tpu.vector_load_idx %arg7[%add3A_272, %add3A_225] : memref<256x64xf32, #tpu.memory_space<vmem>>[vector<16xi32>, vector<16xi32>], vector<16xf32>,
          %add3A_274 = arith.addf %gather3A_273, %gather3A : vector<16xf32>
          tpu.vector_store_idx %arg9[%add3A_225, %add3A_272], %add3A_274 : memref<64x256xf32, #tpu.memory_space<vmem>>[vector<16xi32>, vector<16xi32>], vector<16xf32>,
          %add3A_275 = vector.broadcast %mul3A_234 : i32 to vector<16xi32>
          %add3A_276 = arith.addi %and3A_65, %add3A_275 : vector<16xi32>
          %gather3A_277 = tpu.vector_load_idx %arg7[%add3A_276, %add3A_225] : memref<256x64xf32, #tpu.memory_space<vmem>>[vector<16xi32>, vector<16xi32>], vector<16xf32>,
          %add3A_278 = arith.addf %gather3A_277, %gather3A : vector<16xf32>
          tpu.vector_store_idx %arg9[%add3A_225, %add3A_276], %add3A_278 : memref<64x256xf32, #tpu.memory_space<vmem>>[vector<16xi32>, vector<16xi32>], vector<16xf32>,
          %add3A_279 = vector.broadcast %mul3A_234 : i32 to vector<16xi32>
          %add3A_280 = arith.addi %and3A_71, %add3A_279 : vector<16xi32>
          %gather3A_281 = tpu.vector_load_idx %arg7[%add3A_280, %add3A_225] : memref<256x64xf32, #tpu.memory_space<vmem>>[vector<16xi32>, vector<16xi32>], vector<16xf32>,
          %add3A_282 = arith.addf %gather3A_281, %gather3A : vector<16xf32>
          tpu.vector_store_idx %arg9[%add3A_225, %add3A_280], %add3A_282 : memref<64x256xf32, #tpu.memory_space<vmem>>[vector<16xi32>, vector<16xi32>], vector<16xf32>,
          %add3A_283 = vector.broadcast %mul3A_234 : i32 to vector<16xi32>
          %add3A_284 = arith.addi %and3A_77, %add3A_283 : vector<16xi32>
          %gather3A_285 = tpu.vector_load_idx %arg7[%add3A_284, %add3A_225] : memref<256x64xf32, #tpu.memory_space<vmem>>[vector<16xi32>, vector<16xi32>], vector<16xf32>,
          %add3A_286 = arith.addf %gather3A_285, %gather3A : vector<16xf32>
          tpu.vector_store_idx %arg9[%add3A_225, %add3A_284], %add3A_286 : memref<64x256xf32, #tpu.memory_space<vmem>>[vector<16xi32>, vector<16xi32>], vector<16xf32>,
          %add3A_287 = vector.broadcast %mul3A_234 : i32 to vector<16xi32>
          %add3A_288 = arith.addi %and3A_83, %add3A_287 : vector<16xi32>
          %gather3A_289 = tpu.vector_load_idx %arg7[%add3A_288, %add3A_225] : memref<256x64xf32, #tpu.memory_space<vmem>>[vector<16xi32>, vector<16xi32>], vector<16xf32>,
          %add3A_290 = arith.addf %gather3A_289, %gather3A : vector<16xf32>
          tpu.vector_store_idx %arg9[%add3A_225, %add3A_288], %add3A_290 : memref<64x256xf32, #tpu.memory_space<vmem>>[vector<16xi32>, vector<16xi32>], vector<16xf32>,
          %add3A_291 = vector.broadcast %mul3A_234 : i32 to vector<16xi32>
          %add3A_292 = arith.addi %and3A_89, %add3A_291 : vector<16xi32>
          %gather3A_293 = tpu.vector_load_idx %arg7[%add3A_292, %add3A_225] : memref<256x64xf32, #tpu.memory_space<vmem>>[vector<16xi32>, vector<16xi32>], vector<16xf32>,
          %add3A_294 = arith.addf %gather3A_293, %gather3A : vector<16xf32>
          tpu.vector_store_idx %arg9[%add3A_225, %add3A_292], %add3A_294 : memref<64x256xf32, #tpu.memory_space<vmem>>[vector<16xi32>, vector<16xi32>], vector<16xf32>,
          %add3A_295 = vector.broadcast %mul3A_234 : i32 to vector<16xi32>
          %add3A_296 = arith.addi %and3A_95, %add3A_295 : vector<16xi32>
          %gather3A_297 = tpu.vector_load_idx %arg7[%add3A_296, %add3A_225] : memref<256x64xf32, #tpu.memory_space<vmem>>[vector<16xi32>, vector<16xi32>], vector<16xf32>,
          %add3A_298 = arith.addf %gather3A_297, %gather3A : vector<16xf32>
          tpu.vector_store_idx %arg9[%add3A_225, %add3A_296], %add3A_298 : memref<64x256xf32, #tpu.memory_space<vmem>>[vector<16xi32>, vector<16xi32>], vector<16xf32>,
        }
        %scan3A_231 = arith.constant 16 : i32
      }
      %scan3A_179 = arith.constant 4 : i32
      %dma_start3A_180 = arith.constant 0 : i32
      %dma_start3A_181 = tpu.memref_slice %arg5[%add3A_159, %dma_start3A_180, %add3A_99] : memref<20x64x16384xf32, #tpu.memory_space<hbm>> -> memref<1x64x256xf32, #tpu.memory_space<hbm>>
      %dma_start3A_182 = tpu.memref_squeeze %dma_start3A_181 : memref<1x64x256xf32, #tpu.memory_space<hbm>> -> memref<64x256xf32, #tpu.memory_space<hbm>>
      %dma_start3A_183 = arith.constant 0 : i32
      %dma_start3A_184 = tpu.memref_slice %arg5[%add3A_159, %dma_start3A_183, %add3A_99] : memref<20x64x16384xf32, #tpu.memory_space<hbm>> -> memref<1x64x256xf32, #tpu.memory_space<hbm>>
      %dma_start3A_185 = tpu.memref_squeeze %dma_start3A_184 : memref<1x64x256xf32, #tpu.memory_space<hbm>> -> memref<64x256xf32, #tpu.memory_space<hbm>>
      tpu.enqueue_dma source(%arg9 : memref<64x256xf32, #tpu.memory_space<vmem>>) target(%dma_start3A_185 : memref<64x256xf32, #tpu.memory_space<hbm>>) target_semaphore(%arg14 : memref<!tpu.dma_semaphore, #tpu.memory_space<semaphore_mem>>)
      %mul3A_186 = arith.constant 2 : i32
      %mul3A_187 = arith.muli %mul3A_186, %scan3A_155 : i32
      %add3A_188 = arith.constant 1 : i32
      %add3A_189 = arith.addi %mul3A_187, %add3A_188 : i32
      %dma_wait3A_190 = arith.constant 0 : i32
      %dma_wait3A_191 = arith.constant 0 : i32
      %dma_wait3A_192 = tpu.memref_slice %arg3[%dma_wait3A_190, %dma_wait3A_191] : memref<1000000x64xf32, #tpu.memory_space<hbm>> -> memref<256x64xf32, #tpu.memory_space<hbm>>
      %dma_wait3A_193 = arith.constant 0 : i32
      %dma_wait3A_194 = arith.constant 0 : i32
      %dma_wait3A_195 = tpu.memref_slice %arg3[%dma_wait3A_193, %dma_wait3A_194] : memref<1000000x64xf32, #tpu.memory_space<hbm>> -> memref<256x64xf32, #tpu.memory_space<hbm>>
      tpu.wait_dma2 semaphore(%arg13 : memref<!tpu.dma_semaphore, #tpu.memory_space<semaphore_mem>>) src(%dma_wait3A_195 : memref<256x64xf32, #tpu.memory_space<hbm>>) dst(%arg8 : memref<256x64xf32, #tpu.memory_space<vmem>>)
      %add3A_196 = arith.constant 1 : i32
      %add3A_197 = arith.addi %add3A_189, %add3A_196 : i32
      %lt3A_198 = arith.constant 20 : i32
      %lt3A_199 = arith.cmpi slt, %add3A_197, %lt3A_198 : i32
      %convert_element_type3A_200 = arith.extui %lt3A_199 : i1 to i32
      %cond3A_201 = arith.constant 0 : i32
      %cond3A_202 = arith.cmpi ne, %convert_element_type3A_200, %cond3A_201 : i32
      scf.if %cond3A_202 {
        %add3A_221 = arith.constant 1 : i32
        %add3A_222 = arith.addi %add3A_189, %add3A_221 : i32
        %dma_start3A_223 = arith.constant 0 : i32
        %dma_start3A_224 = tpu.memref_slice %arg6[%add3A_222, %dma_start3A_223] : memref<20x256xi32, #tpu.memory_space<vmem>> -> memref<1x256xi32, #tpu.memory_space<vmem>>
        %dma_start3A_225 = tpu.memref_squeeze %dma_start3A_224 : memref<1x256xi32, #tpu.memory_space<vmem>> -> memref<256xi32, #tpu.memory_space<vmem>>
        %dma_start3A_226 = arith.constant 0 : i32
        %dma_start3A_227 = arith.constant 0 : i32
        %dma_start3A_228 = tpu.memref_slice %arg3[%dma_start3A_226, %dma_start3A_227] : memref<1000000x64xf32, #tpu.memory_space<hbm>> -> memref<1000000x64xf32, #tpu.memory_space<hbm>>
        tpu.enqueue_indirect_dma source(%dma_start3A_228 : memref<1000000x64xf32, #tpu.memory_space<hbm>>) target(%arg7 : memref<256x64xf32, #tpu.memory_space<vmem>>) offsets(%dma_start3A_225 : memref<256xi32, #tpu.memory_space<vmem>>) semaphore(%arg12 : memref<!tpu.dma_semaphore, #tpu.memory_space<semaphore_mem>>)
      } else {
      }
      %ge3A_203 = arith.constant 2 : i32
      %ge3A_204 = arith.cmpi sge, %add3A_189, %ge3A_203 : i32
      %convert_element_type3A_205 = arith.extui %ge3A_204 : i1 to i32
      %cond3A_206 = arith.constant 0 : i32
      %cond3A_207 = arith.cmpi ne, %convert_element_type3A_205, %cond3A_206 : i32
      scf.if %cond3A_207 {
        %dma_wait3A_221 = arith.constant 0 : i32
        %dma_wait3A_222 = arith.constant 0 : i32
        %dma_wait3A_223 = tpu.memref_slice %arg5[%dma_wait3A_221, %dma_wait3A_222, %add3A_99] : memref<20x64x16384xf32, #tpu.memory_space<hbm>> -> memref<1x64x256xf32, #tpu.memory_space<hbm>>
        %dma_wait3A_224 = tpu.memref_squeeze %dma_wait3A_223 : memref<1x64x256xf32, #tpu.memory_space<hbm>> -> memref<64x256xf32, #tpu.memory_space<hbm>>
        %dma_wait3A_225 = arith.constant 0 : i32
        %dma_wait3A_226 = tpu.memref_slice %arg5[%dma_wait3A_221, %dma_wait3A_225, %add3A_99] : memref<20x64x16384xf32, #tpu.memory_space<hbm>> -> memref<1x64x256xf32, #tpu.memory_space<hbm>>
        %dma_wait3A_227 = tpu.memref_squeeze %dma_wait3A_226 : memref<1x64x256xf32, #tpu.memory_space<hbm>> -> memref<64x256xf32, #tpu.memory_space<hbm>>
        tpu.wait_dma2 semaphore(%arg15 : memref<!tpu.dma_semaphore, #tpu.memory_space<semaphore_mem>>) src(%arg10 : memref<64x256xf32, #tpu.memory_space<vmem>>) dst(%dma_wait3A_227 : memref<64x256xf32, #tpu.memory_space<hbm>>)
      } else {
      }
      %broadcast_in_dim3A_208 = vector.broadcast %add3A_189 : i32 to vector<16xi32>
      %scan3A_209 = arith.constant 0 : i32
      %scan3A_210 = arith.constant 0 : i32
      %scan3A_211 = arith.constant 4 : i32
      %scan3A_212 = arith.addi %scan3A_210, %scan3A_211 : i32
      %scan3A_213 = arith.constant 1 : i32
      scf.for %scan3A_221 = %scan3A_210 to %scan3A_212 step %scan3A_213  : i32 {
        %mul3A_222 = arith.constant 16 : i32
        %mul3A_223 = arith.muli %scan3A_221, %mul3A_222 : i32
        %add3A_224 = vector.broadcast %mul3A_223 : i32 to vector<16xi32>
        %add3A_225 = arith.addi %iota3A, %add3A_224 : vector<16xi32>
        %gather3A = tpu.vector_load_idx %arg11[%broadcast_in_dim3A_208, %add3A_225] : memref<32x64xf32, #tpu.memory_space<vmem>>[vector<16xi32>, vector<16xi32>], vector<16xf32>,
        %scan3A_226 = arith.constant 0 : i32
        %scan3A_227 = arith.constant 0 : i32
        %scan3A_228 = arith.constant 16 : i32
        %scan3A_229 = arith.addi %scan3A_227, %scan3A_228 : i32
        %scan3A_230 = arith.constant 1 : i32
        scf.for %scan3A_232 = %scan3A_227 to %scan3A_229 step %scan3A_230  : i32 {
          %mul3A_233 = arith.constant 16 : i32
          %mul3A_234 = arith.muli %scan3A_232, %mul3A_233 : i32
          %add3A_235 = vector.broadcast %mul3A_234 : i32 to vector<16xi32>
          %add3A_236 = arith.addi %and3A_5, %add3A_235 : vector<16xi32>
          %gather3A_237 = tpu.vector_load_idx %arg8[%add3A_236, %add3A_225] : memref<256x64xf32, #tpu.memory_space<vmem>>[vector<16xi32>, vector<16xi32>], vector<16xf32>,
          %add3A_238 = arith.addf %gather3A_237, %gather3A : vector<16xf32>
          tpu.vector_store_idx %arg10[%add3A_225, %add3A_236], %add3A_238 : memref<64x256xf32, #tpu.memory_space<vmem>>[vector<16xi32>, vector<16xi32>], vector<16xf32>,
          %add3A_239 = vector.broadcast %mul3A_234 : i32 to vector<16xi32>
          %add3A_240 = arith.addi %and3A_11, %add3A_239 : vector<16xi32>
          %gather3A_241 = tpu.vector_load_idx %arg8[%add3A_240, %add3A_225] : memref<256x64xf32, #tpu.memory_space<vmem>>[vector<16xi32>, vector<16xi32>], vector<16xf32>,
          %add3A_242 = arith.addf %gather3A_241, %gather3A : vector<16xf32>
          tpu.vector_store_idx %arg10[%add3A_225, %add3A_240], %add3A_242 : memref<64x256xf32, #tpu.memory_space<vmem>>[vector<16xi32>, vector<16xi32>], vector<16xf32>,
          %add3A_243 = vector.broadcast %mul3A_234 : i32 to vector<16xi32>
          %add3A_244 = arith.addi %and3A_17, %add3A_243 : vector<16xi32>
          %gather3A_245 = tpu.vector_load_idx %arg8[%add3A_244, %add3A_225] : memref<256x64xf32, #tpu.memory_space<vmem>>[vector<16xi32>, vector<16xi32>], vector<16xf32>,
          %add3A_246 = arith.addf %gather3A_245, %gather3A : vector<16xf32>
          tpu.vector_store_idx %arg10[%add3A_225, %add3A_244], %add3A_246 : memref<64x256xf32, #tpu.memory_space<vmem>>[vector<16xi32>, vector<16xi32>], vector<16xf32>,
          %add3A_247 = vector.broadcast %mul3A_234 : i32 to vector<16xi32>
          %add3A_248 = arith.addi %and3A_23, %add3A_247 : vector<16xi32>
          %gather3A_249 = tpu.vector_load_idx %arg8[%add3A_248, %add3A_225] : memref<256x64xf32, #tpu.memory_space<vmem>>[vector<16xi32>, vector<16xi32>], vector<16xf32>,
          %add3A_250 = arith.addf %gather3A_249, %gather3A : vector<16xf32>
          tpu.vector_store_idx %arg10[%add3A_225, %add3A_248], %add3A_250 : memref<64x256xf32, #tpu.memory_space<vmem>>[vector<16xi32>, vector<16xi32>], vector<16xf32>,
          %add3A_251 = vector.broadcast %mul3A_234 : i32 to vector<16xi32>
          %add3A_252 = arith.addi %and3A_29, %add3A_251 : vector<16xi32>
          %gather3A_253 = tpu.vector_load_idx %arg8[%add3A_252, %add3A_225] : memref<256x64xf32, #tpu.memory_space<vmem>>[vector<16xi32>, vector<16xi32>], vector<16xf32>,
          %add3A_254 = arith.addf %gather3A_253, %gather3A : vector<16xf32>
          tpu.vector_store_idx %arg10[%add3A_225, %add3A_252], %add3A_254 : memref<64x256xf32, #tpu.memory_space<vmem>>[vector<16xi32>, vector<16xi32>], vector<16xf32>,
          %add3A_255 = vector.broadcast %mul3A_234 : i32 to vector<16xi32>
          %add3A_256 = arith.addi %and3A_35, %add3A_255 : vector<16xi32>
          %gather3A_257 = tpu.vector_load_idx %arg8[%add3A_256, %add3A_225] : memref<256x64xf32, #tpu.memory_space<vmem>>[vector<16xi32>, vector<16xi32>], vector<16xf32>,
          %add3A_258 = arith.addf %gather3A_257, %gather3A : vector<16xf32>
          tpu.vector_store_idx %arg10[%add3A_225, %add3A_256], %add3A_258 : memref<64x256xf32, #tpu.memory_space<vmem>>[vector<16xi32>, vector<16xi32>], vector<16xf32>,
          %add3A_259 = vector.broadcast %mul3A_234 : i32 to vector<16xi32>
          %add3A_260 = arith.addi %and3A_41, %add3A_259 : vector<16xi32>
          %gather3A_261 = tpu.vector_load_idx %arg8[%add3A_260, %add3A_225] : memref<256x64xf32, #tpu.memory_space<vmem>>[vector<16xi32>, vector<16xi32>], vector<16xf32>,
          %add3A_262 = arith.addf %gather3A_261, %gather3A : vector<16xf32>
          tpu.vector_store_idx %arg10[%add3A_225, %add3A_260], %add3A_262 : memref<64x256xf32, #tpu.memory_space<vmem>>[vector<16xi32>, vector<16xi32>], vector<16xf32>,
          %add3A_263 = vector.broadcast %mul3A_234 : i32 to vector<16xi32>
          %add3A_264 = arith.addi %and3A_47, %add3A_263 : vector<16xi32>
          %gather3A_265 = tpu.vector_load_idx %arg8[%add3A_264, %add3A_225] : memref<256x64xf32, #tpu.memory_space<vmem>>[vector<16xi32>, vector<16xi32>], vector<16xf32>,
          %add3A_266 = arith.addf %gather3A_265, %gather3A : vector<16xf32>
          tpu.vector_store_idx %arg10[%add3A_225, %add3A_264], %add3A_266 : memref<64x256xf32, #tpu.memory_space<vmem>>[vector<16xi32>, vector<16xi32>], vector<16xf32>,
          %add3A_267 = vector.broadcast %mul3A_234 : i32 to vector<16xi32>
          %add3A_268 = arith.addi %and3A_53, %add3A_267 : vector<16xi32>
          %gather3A_269 = tpu.vector_load_idx %arg8[%add3A_268, %add3A_225] : memref<256x64xf32, #tpu.memory_space<vmem>>[vector<16xi32>, vector<16xi32>], vector<16xf32>,
          %add3A_270 = arith.addf %gather3A_269, %gather3A : vector<16xf32>
          tpu.vector_store_idx %arg10[%add3A_225, %add3A_268], %add3A_270 : memref<64x256xf32, #tpu.memory_space<vmem>>[vector<16xi32>, vector<16xi32>], vector<16xf32>,
          %add3A_271 = vector.broadcast %mul3A_234 : i32 to vector<16xi32>
          %add3A_272 = arith.addi %and3A_59, %add3A_271 : vector<16xi32>
          %gather3A_273 = tpu.vector_load_idx %arg8[%add3A_272, %add3A_225] : memref<256x64xf32, #tpu.memory_space<vmem>>[vector<16xi32>, vector<16xi32>], vector<16xf32>,
          %add3A_274 = arith.addf %gather3A_273, %gather3A : vector<16xf32>
          tpu.vector_store_idx %arg10[%add3A_225, %add3A_272], %add3A_274 : memref<64x256xf32, #tpu.memory_space<vmem>>[vector<16xi32>, vector<16xi32>], vector<16xf32>,
          %add3A_275 = vector.broadcast %mul3A_234 : i32 to vector<16xi32>
          %add3A_276 = arith.addi %and3A_65, %add3A_275 : vector<16xi32>
          %gather3A_277 = tpu.vector_load_idx %arg8[%add3A_276, %add3A_225] : memref<256x64xf32, #tpu.memory_space<vmem>>[vector<16xi32>, vector<16xi32>], vector<16xf32>,
          %add3A_278 = arith.addf %gather3A_277, %gather3A : vector<16xf32>
          tpu.vector_store_idx %arg10[%add3A_225, %add3A_276], %add3A_278 : memref<64x256xf32, #tpu.memory_space<vmem>>[vector<16xi32>, vector<16xi32>], vector<16xf32>,
          %add3A_279 = vector.broadcast %mul3A_234 : i32 to vector<16xi32>
          %add3A_280 = arith.addi %and3A_71, %add3A_279 : vector<16xi32>
          %gather3A_281 = tpu.vector_load_idx %arg8[%add3A_280, %add3A_225] : memref<256x64xf32, #tpu.memory_space<vmem>>[vector<16xi32>, vector<16xi32>], vector<16xf32>,
          %add3A_282 = arith.addf %gather3A_281, %gather3A : vector<16xf32>
          tpu.vector_store_idx %arg10[%add3A_225, %add3A_280], %add3A_282 : memref<64x256xf32, #tpu.memory_space<vmem>>[vector<16xi32>, vector<16xi32>], vector<16xf32>,
          %add3A_283 = vector.broadcast %mul3A_234 : i32 to vector<16xi32>
          %add3A_284 = arith.addi %and3A_77, %add3A_283 : vector<16xi32>
          %gather3A_285 = tpu.vector_load_idx %arg8[%add3A_284, %add3A_225] : memref<256x64xf32, #tpu.memory_space<vmem>>[vector<16xi32>, vector<16xi32>], vector<16xf32>,
          %add3A_286 = arith.addf %gather3A_285, %gather3A : vector<16xf32>
          tpu.vector_store_idx %arg10[%add3A_225, %add3A_284], %add3A_286 : memref<64x256xf32, #tpu.memory_space<vmem>>[vector<16xi32>, vector<16xi32>], vector<16xf32>,
          %add3A_287 = vector.broadcast %mul3A_234 : i32 to vector<16xi32>
          %add3A_288 = arith.addi %and3A_83, %add3A_287 : vector<16xi32>
          %gather3A_289 = tpu.vector_load_idx %arg8[%add3A_288, %add3A_225] : memref<256x64xf32, #tpu.memory_space<vmem>>[vector<16xi32>, vector<16xi32>], vector<16xf32>,
          %add3A_290 = arith.addf %gather3A_289, %gather3A : vector<16xf32>
          tpu.vector_store_idx %arg10[%add3A_225, %add3A_288], %add3A_290 : memref<64x256xf32, #tpu.memory_space<vmem>>[vector<16xi32>, vector<16xi32>], vector<16xf32>,
          %add3A_291 = vector.broadcast %mul3A_234 : i32 to vector<16xi32>
          %add3A_292 = arith.addi %and3A_89, %add3A_291 : vector<16xi32>
          %gather3A_293 = tpu.vector_load_idx %arg8[%add3A_292, %add3A_225] : memref<256x64xf32, #tpu.memory_space<vmem>>[vector<16xi32>, vector<16xi32>], vector<16xf32>,
          %add3A_294 = arith.addf %gather3A_293, %gather3A : vector<16xf32>
          tpu.vector_store_idx %arg10[%add3A_225, %add3A_292], %add3A_294 : memref<64x256xf32, #tpu.memory_space<vmem>>[vector<16xi32>, vector<16xi32>], vector<16xf32>,
          %add3A_295 = vector.broadcast %mul3A_234 : i32 to vector<16xi32>
          %add3A_296 = arith.addi %and3A_95, %add3A_295 : vector<16xi32>
          %gather3A_297 = tpu.vector_load_idx %arg8[%add3A_296, %add3A_225] : memref<256x64xf32, #tpu.memory_space<vmem>>[vector<16xi32>, vector<16xi32>], vector<16xf32>,
          %add3A_298 = arith.addf %gather3A_297, %gather3A : vector<16xf32>
          tpu.vector_store_idx %arg10[%add3A_225, %add3A_296], %add3A_298 : memref<64x256xf32, #tpu.memory_space<vmem>>[vector<16xi32>, vector<16xi32>], vector<16xf32>,
        }
        %scan3A_231 = arith.constant 16 : i32
      }
      %scan3A_214 = arith.constant 4 : i32
      %dma_start3A_215 = arith.constant 0 : i32
      %dma_start3A_216 = tpu.memref_slice %arg5[%add3A_189, %dma_start3A_215, %add3A_99] : memref<20x64x16384xf32, #tpu.memory_space<hbm>> -> memref<1x64x256xf32, #tpu.memory_space<hbm>>
      %dma_start3A_217 = tpu.memref_squeeze %dma_start3A_216 : memref<1x64x256xf32, #tpu.memory_space<hbm>> -> memref<64x256xf32, #tpu.memory_space<hbm>>
      %dma_start3A_218 = arith.constant 0 : i32
      %dma_start3A_219 = tpu.memref_slice %arg5[%add3A_189, %dma_start3A_218, %add3A_99] : memref<20x64x16384xf32, #tpu.memory_space<hbm>> -> memref<1x64x256xf32, #tpu.memory_space<hbm>>
      %dma_start3A_220 = tpu.memref_squeeze %dma_start3A_219 : memref<1x64x256xf32, #tpu.memory_space<hbm>> -> memref<64x256xf32, #tpu.memory_space<hbm>>
      tpu.enqueue_dma source(%arg10 : memref<64x256xf32, #tpu.memory_space<vmem>>) target(%dma_start3A_220 : memref<64x256xf32, #tpu.memory_space<hbm>>) target_semaphore(%arg15 : memref<!tpu.dma_semaphore, #tpu.memory_space<semaphore_mem>>)
    }
    %scan3A_110 = arith.constant 10 : i32
    %dma_wait3A = arith.constant 0 : i32
    %dma_wait3A_111 = arith.constant 0 : i32
    %dma_wait3A_112 = tpu.memref_slice %arg5[%dma_wait3A, %dma_wait3A_111, %add3A_99] : memref<20x64x16384xf32, #tpu.memory_space<hbm>> -> memref<1x64x256xf32, #tpu.memory_space<hbm>>
    %dma_wait3A_113 = tpu.memref_squeeze %dma_wait3A_112 : memref<1x64x256xf32, #tpu.memory_space<hbm>> -> memref<64x256xf32, #tpu.memory_space<hbm>>
    %dma_wait3A_114 = arith.constant 0 : i32
    %dma_wait3A_115 = tpu.memref_slice %arg5[%dma_wait3A, %dma_wait3A_114, %add3A_99] : memref<20x64x16384xf32, #tpu.memory_space<hbm>> -> memref<1x64x256xf32, #tpu.memory_space<hbm>>
    %dma_wait3A_116 = tpu.memref_squeeze %dma_wait3A_115 : memref<1x64x256xf32, #tpu.memory_space<hbm>> -> memref<64x256xf32, #tpu.memory_space<hbm>>
    tpu.wait_dma2 semaphore(%arg14 : memref<!tpu.dma_semaphore, #tpu.memory_space<semaphore_mem>>) src(%arg9 : memref<64x256xf32, #tpu.memory_space<vmem>>) dst(%dma_wait3A_116 : memref<64x256xf32, #tpu.memory_space<hbm>>)
    %dma_wait3A_117 = arith.constant 0 : i32
    %dma_wait3A_118 = arith.constant 0 : i32
    %dma_wait3A_119 = tpu.memref_slice %arg5[%dma_wait3A_117, %dma_wait3A_118, %add3A_99] : memref<20x64x16384xf32, #tpu.memory_space<hbm>> -> memref<1x64x256xf32, #tpu.memory_space<hbm>>
    %dma_wait3A_120 = tpu.memref_squeeze %dma_wait3A_119 : memref<1x64x256xf32, #tpu.memory_space<hbm>> -> memref<64x256xf32, #tpu.memory_space<hbm>>
    %dma_wait3A_121 = arith.constant 0 : i32
    %dma_wait3A_122 = tpu.memref_slice %arg5[%dma_wait3A_117, %dma_wait3A_121, %add3A_99] : memref<20x64x16384xf32, #tpu.memory_space<hbm>> -> memref<1x64x256xf32, #tpu.memory_space<hbm>>
    %dma_wait3A_123 = tpu.memref_squeeze %dma_wait3A_122 : memref<1x64x256xf32, #tpu.memory_space<hbm>> -> memref<64x256xf32, #tpu.memory_space<hbm>>
    tpu.wait_dma2 semaphore(%arg15 : memref<!tpu.dma_semaphore, #tpu.memory_space<semaphore_mem>>) src(%arg10 : memref<64x256xf32, #tpu.memory_space<vmem>>) dst(%dma_wait3A_123 : memref<64x256xf32, #tpu.memory_space<hbm>>)
    %mul3A_124 = arith.constant 256 : i32
    %mul3A_125 = arith.muli %add3A, %mul3A_124 : i32
    %add3A_126 = arith.constant 8192 : i32
    %add3A_127 = arith.addi %mul3A_125, %add3A_126 : i32
    "tpu.region"() ({
      %run_scoped3A = tpu.sem_alloc : memref<!tpu.dma_semaphore, #tpu.memory_space<semaphore_mem>>
      %dma_start3A_155 = arith.constant 0 : i32
      %dma_start3A_156 = tpu.memref_slice %arg2[%dma_start3A_155, %add3A_127] : memref<20x16384xi32, #tpu.memory_space<hbm>> -> memref<20x256xi32, #tpu.memory_space<hbm>>
      %dma_start3A_157 = arith.constant 0 : i32
      %dma_start3A_158 = tpu.memref_slice %arg2[%dma_start3A_157, %add3A_127] : memref<20x16384xi32, #tpu.memory_space<hbm>> -> memref<20x256xi32, #tpu.memory_space<hbm>>
      tpu.enqueue_dma source(%dma_start3A_158 : memref<20x256xi32, #tpu.memory_space<hbm>>) target(%arg6 : memref<20x256xi32, #tpu.memory_space<vmem>>) target_semaphore(%run_scoped3A : memref<!tpu.dma_semaphore, #tpu.memory_space<semaphore_mem>>)
      %dma_wait3A_159 = arith.constant 0 : i32
      %dma_wait3A_160 = tpu.memref_slice %arg2[%dma_wait3A_159, %add3A_127] : memref<20x16384xi32, #tpu.memory_space<hbm>> -> memref<20x256xi32, #tpu.memory_space<hbm>>
      %dma_wait3A_161 = arith.constant 0 : i32
      %dma_wait3A_162 = tpu.memref_slice %arg2[%dma_wait3A_161, %add3A_127] : memref<20x16384xi32, #tpu.memory_space<hbm>> -> memref<20x256xi32, #tpu.memory_space<hbm>>
      tpu.wait_dma2 semaphore(%run_scoped3A : memref<!tpu.dma_semaphore, #tpu.memory_space<semaphore_mem>>) src(%dma_wait3A_162 : memref<20x256xi32, #tpu.memory_space<hbm>>) dst(%arg6 : memref<20x256xi32, #tpu.memory_space<vmem>>)
      tpu.yield
    }) : () -> ()
    %dma_start3A_128 = arith.constant 0 : i32
    %dma_start3A_129 = arith.constant 0 : i32
    %dma_start3A_130 = tpu.memref_slice %arg6[%dma_start3A_128, %dma_start3A_129] : memref<20x256xi32, #tpu.memory_space<vmem>> -> memref<1x256xi32, #tpu.memory_space<vmem>>
    %dma_start3A_131 = tpu.memref_squeeze %dma_start3A_130 : memref<1x256xi32, #tpu.memory_space<vmem>> -> memref<256xi32, #tpu.memory_space<vmem>>
    %dma_start3A_132 = arith.constant 0 : i32
    %dma_start3A_133 = arith.constant 0 : i32
    %dma_start3A_134 = tpu.memref_slice %arg3[%dma_start3A_132, %dma_start3A_133] : memref<1000000x64xf32, #tpu.memory_space<hbm>> -> memref<1000000x64xf32, #tpu.memory_space<hbm>>
    tpu.enqueue_indirect_dma source(%dma_start3A_134 : memref<1000000x64xf32, #tpu.memory_space<hbm>>) target(%arg7 : memref<256x64xf32, #tpu.memory_space<vmem>>) offsets(%dma_start3A_131 : memref<256xi32, #tpu.memory_space<vmem>>) semaphore(%arg12 : memref<!tpu.dma_semaphore, #tpu.memory_space<semaphore_mem>>)
    %scan3A_135 = arith.constant 0 : i32
    %scan3A_136 = arith.constant 0 : i32
    %scan3A_137 = arith.constant 10 : i32
    %scan3A_138 = arith.addi %scan3A_136, %scan3A_137 : i32
    %scan3A_139 = arith.constant 1 : i32
    scf.for %scan3A_155 = %scan3A_136 to %scan3A_138 step %scan3A_139  : i32 {
      %mul3A_156 = arith.constant 2 : i32
      %mul3A_157 = arith.muli %mul3A_156, %scan3A_155 : i32
      %add3A_158 = arith.constant 0 : i32
      %add3A_159 = arith.addi %mul3A_157, %add3A_158 : i32
      %dma_wait3A_160 = arith.constant 0 : i32
      %dma_wait3A_161 = arith.constant 0 : i32
      %dma_wait3A_162 = tpu.memref_slice %arg3[%dma_wait3A_160, %dma_wait3A_161] : memref<1000000x64xf32, #tpu.memory_space<hbm>> -> memref<256x64xf32, #tpu.memory_space<hbm>>
      %dma_wait3A_163 = arith.constant 0 : i32
      %dma_wait3A_164 = arith.constant 0 : i32
      %dma_wait3A_165 = tpu.memref_slice %arg3[%dma_wait3A_163, %dma_wait3A_164] : memref<1000000x64xf32, #tpu.memory_space<hbm>> -> memref<256x64xf32, #tpu.memory_space<hbm>>
      tpu.wait_dma2 semaphore(%arg12 : memref<!tpu.dma_semaphore, #tpu.memory_space<semaphore_mem>>) src(%dma_wait3A_165 : memref<256x64xf32, #tpu.memory_space<hbm>>) dst(%arg7 : memref<256x64xf32, #tpu.memory_space<vmem>>)
      %add3A_166 = arith.constant 1 : i32
      %add3A_167 = arith.addi %add3A_159, %add3A_166 : i32
      %lt3A = arith.constant 20 : i32
      %lt3A_168 = arith.cmpi slt, %add3A_167, %lt3A : i32
      %convert_element_type3A = arith.extui %lt3A_168 : i1 to i32
      %cond3A = arith.constant 0 : i32
      %cond3A_169 = arith.cmpi ne, %convert_element_type3A, %cond3A : i32
      scf.if %cond3A_169 {
        %add3A_221 = arith.constant 1 : i32
        %add3A_222 = arith.addi %add3A_159, %add3A_221 : i32
        %dma_start3A_223 = arith.constant 0 : i32
        %dma_start3A_224 = tpu.memref_slice %arg6[%add3A_222, %dma_start3A_223] : memref<20x256xi32, #tpu.memory_space<vmem>> -> memref<1x256xi32, #tpu.memory_space<vmem>>
        %dma_start3A_225 = tpu.memref_squeeze %dma_start3A_224 : memref<1x256xi32, #tpu.memory_space<vmem>> -> memref<256xi32, #tpu.memory_space<vmem>>
        %dma_start3A_226 = arith.constant 0 : i32
        %dma_start3A_227 = arith.constant 0 : i32
        %dma_start3A_228 = tpu.memref_slice %arg3[%dma_start3A_226, %dma_start3A_227] : memref<1000000x64xf32, #tpu.memory_space<hbm>> -> memref<1000000x64xf32, #tpu.memory_space<hbm>>
        tpu.enqueue_indirect_dma source(%dma_start3A_228 : memref<1000000x64xf32, #tpu.memory_space<hbm>>) target(%arg8 : memref<256x64xf32, #tpu.memory_space<vmem>>) offsets(%dma_start3A_225 : memref<256xi32, #tpu.memory_space<vmem>>) semaphore(%arg13 : memref<!tpu.dma_semaphore, #tpu.memory_space<semaphore_mem>>)
      } else {
      }
      %ge3A = arith.constant 2 : i32
      %ge3A_170 = arith.cmpi sge, %add3A_159, %ge3A : i32
      %convert_element_type3A_171 = arith.extui %ge3A_170 : i1 to i32
      %cond3A_172 = arith.constant 0 : i32
      %cond3A_173 = arith.cmpi ne, %convert_element_type3A_171, %cond3A_172 : i32
      scf.if %cond3A_173 {
        %dma_wait3A_221 = arith.constant 0 : i32
        %dma_wait3A_222 = arith.constant 0 : i32
        %dma_wait3A_223 = tpu.memref_slice %arg5[%dma_wait3A_221, %dma_wait3A_222, %add3A_127] : memref<20x64x16384xf32, #tpu.memory_space<hbm>> -> memref<1x64x256xf32, #tpu.memory_space<hbm>>
        %dma_wait3A_224 = tpu.memref_squeeze %dma_wait3A_223 : memref<1x64x256xf32, #tpu.memory_space<hbm>> -> memref<64x256xf32, #tpu.memory_space<hbm>>
        %dma_wait3A_225 = arith.constant 0 : i32
        %dma_wait3A_226 = tpu.memref_slice %arg5[%dma_wait3A_221, %dma_wait3A_225, %add3A_127] : memref<20x64x16384xf32, #tpu.memory_space<hbm>> -> memref<1x64x256xf32, #tpu.memory_space<hbm>>
        %dma_wait3A_227 = tpu.memref_squeeze %dma_wait3A_226 : memref<1x64x256xf32, #tpu.memory_space<hbm>> -> memref<64x256xf32, #tpu.memory_space<hbm>>
        tpu.wait_dma2 semaphore(%arg14 : memref<!tpu.dma_semaphore, #tpu.memory_space<semaphore_mem>>) src(%arg9 : memref<64x256xf32, #tpu.memory_space<vmem>>) dst(%dma_wait3A_227 : memref<64x256xf32, #tpu.memory_space<hbm>>)
      } else {
      }
      %broadcast_in_dim3A = vector.broadcast %add3A_159 : i32 to vector<16xi32>
      %scan3A_174 = arith.constant 0 : i32
      %scan3A_175 = arith.constant 0 : i32
      %scan3A_176 = arith.constant 4 : i32
      %scan3A_177 = arith.addi %scan3A_175, %scan3A_176 : i32
      %scan3A_178 = arith.constant 1 : i32
      scf.for %scan3A_221 = %scan3A_175 to %scan3A_177 step %scan3A_178  : i32 {
        %mul3A_222 = arith.constant 16 : i32
        %mul3A_223 = arith.muli %scan3A_221, %mul3A_222 : i32
        %add3A_224 = vector.broadcast %mul3A_223 : i32 to vector<16xi32>
        %add3A_225 = arith.addi %iota3A, %add3A_224 : vector<16xi32>
        %gather3A = tpu.vector_load_idx %arg11[%broadcast_in_dim3A, %add3A_225] : memref<32x64xf32, #tpu.memory_space<vmem>>[vector<16xi32>, vector<16xi32>], vector<16xf32>,
        %scan3A_226 = arith.constant 0 : i32
        %scan3A_227 = arith.constant 0 : i32
        %scan3A_228 = arith.constant 16 : i32
        %scan3A_229 = arith.addi %scan3A_227, %scan3A_228 : i32
        %scan3A_230 = arith.constant 1 : i32
        scf.for %scan3A_232 = %scan3A_227 to %scan3A_229 step %scan3A_230  : i32 {
          %mul3A_233 = arith.constant 16 : i32
          %mul3A_234 = arith.muli %scan3A_232, %mul3A_233 : i32
          %add3A_235 = vector.broadcast %mul3A_234 : i32 to vector<16xi32>
          %add3A_236 = arith.addi %and3A_5, %add3A_235 : vector<16xi32>
          %gather3A_237 = tpu.vector_load_idx %arg7[%add3A_236, %add3A_225] : memref<256x64xf32, #tpu.memory_space<vmem>>[vector<16xi32>, vector<16xi32>], vector<16xf32>,
          %add3A_238 = arith.addf %gather3A_237, %gather3A : vector<16xf32>
          tpu.vector_store_idx %arg9[%add3A_225, %add3A_236], %add3A_238 : memref<64x256xf32, #tpu.memory_space<vmem>>[vector<16xi32>, vector<16xi32>], vector<16xf32>,
          %add3A_239 = vector.broadcast %mul3A_234 : i32 to vector<16xi32>
          %add3A_240 = arith.addi %and3A_11, %add3A_239 : vector<16xi32>
          %gather3A_241 = tpu.vector_load_idx %arg7[%add3A_240, %add3A_225] : memref<256x64xf32, #tpu.memory_space<vmem>>[vector<16xi32>, vector<16xi32>], vector<16xf32>,
          %add3A_242 = arith.addf %gather3A_241, %gather3A : vector<16xf32>
          tpu.vector_store_idx %arg9[%add3A_225, %add3A_240], %add3A_242 : memref<64x256xf32, #tpu.memory_space<vmem>>[vector<16xi32>, vector<16xi32>], vector<16xf32>,
          %add3A_243 = vector.broadcast %mul3A_234 : i32 to vector<16xi32>
          %add3A_244 = arith.addi %and3A_17, %add3A_243 : vector<16xi32>
          %gather3A_245 = tpu.vector_load_idx %arg7[%add3A_244, %add3A_225] : memref<256x64xf32, #tpu.memory_space<vmem>>[vector<16xi32>, vector<16xi32>], vector<16xf32>,
          %add3A_246 = arith.addf %gather3A_245, %gather3A : vector<16xf32>
          tpu.vector_store_idx %arg9[%add3A_225, %add3A_244], %add3A_246 : memref<64x256xf32, #tpu.memory_space<vmem>>[vector<16xi32>, vector<16xi32>], vector<16xf32>,
          %add3A_247 = vector.broadcast %mul3A_234 : i32 to vector<16xi32>
          %add3A_248 = arith.addi %and3A_23, %add3A_247 : vector<16xi32>
          %gather3A_249 = tpu.vector_load_idx %arg7[%add3A_248, %add3A_225] : memref<256x64xf32, #tpu.memory_space<vmem>>[vector<16xi32>, vector<16xi32>], vector<16xf32>,
          %add3A_250 = arith.addf %gather3A_249, %gather3A : vector<16xf32>
          tpu.vector_store_idx %arg9[%add3A_225, %add3A_248], %add3A_250 : memref<64x256xf32, #tpu.memory_space<vmem>>[vector<16xi32>, vector<16xi32>], vector<16xf32>,
          %add3A_251 = vector.broadcast %mul3A_234 : i32 to vector<16xi32>
          %add3A_252 = arith.addi %and3A_29, %add3A_251 : vector<16xi32>
          %gather3A_253 = tpu.vector_load_idx %arg7[%add3A_252, %add3A_225] : memref<256x64xf32, #tpu.memory_space<vmem>>[vector<16xi32>, vector<16xi32>], vector<16xf32>,
          %add3A_254 = arith.addf %gather3A_253, %gather3A : vector<16xf32>
          tpu.vector_store_idx %arg9[%add3A_225, %add3A_252], %add3A_254 : memref<64x256xf32, #tpu.memory_space<vmem>>[vector<16xi32>, vector<16xi32>], vector<16xf32>,
          %add3A_255 = vector.broadcast %mul3A_234 : i32 to vector<16xi32>
          %add3A_256 = arith.addi %and3A_35, %add3A_255 : vector<16xi32>
          %gather3A_257 = tpu.vector_load_idx %arg7[%add3A_256, %add3A_225] : memref<256x64xf32, #tpu.memory_space<vmem>>[vector<16xi32>, vector<16xi32>], vector<16xf32>,
          %add3A_258 = arith.addf %gather3A_257, %gather3A : vector<16xf32>
          tpu.vector_store_idx %arg9[%add3A_225, %add3A_256], %add3A_258 : memref<64x256xf32, #tpu.memory_space<vmem>>[vector<16xi32>, vector<16xi32>], vector<16xf32>,
          %add3A_259 = vector.broadcast %mul3A_234 : i32 to vector<16xi32>
          %add3A_260 = arith.addi %and3A_41, %add3A_259 : vector<16xi32>
          %gather3A_261 = tpu.vector_load_idx %arg7[%add3A_260, %add3A_225] : memref<256x64xf32, #tpu.memory_space<vmem>>[vector<16xi32>, vector<16xi32>], vector<16xf32>,
          %add3A_262 = arith.addf %gather3A_261, %gather3A : vector<16xf32>
          tpu.vector_store_idx %arg9[%add3A_225, %add3A_260], %add3A_262 : memref<64x256xf32, #tpu.memory_space<vmem>>[vector<16xi32>, vector<16xi32>], vector<16xf32>,
          %add3A_263 = vector.broadcast %mul3A_234 : i32 to vector<16xi32>
          %add3A_264 = arith.addi %and3A_47, %add3A_263 : vector<16xi32>
          %gather3A_265 = tpu.vector_load_idx %arg7[%add3A_264, %add3A_225] : memref<256x64xf32, #tpu.memory_space<vmem>>[vector<16xi32>, vector<16xi32>], vector<16xf32>,
          %add3A_266 = arith.addf %gather3A_265, %gather3A : vector<16xf32>
          tpu.vector_store_idx %arg9[%add3A_225, %add3A_264], %add3A_266 : memref<64x256xf32, #tpu.memory_space<vmem>>[vector<16xi32>, vector<16xi32>], vector<16xf32>,
          %add3A_267 = vector.broadcast %mul3A_234 : i32 to vector<16xi32>
          %add3A_268 = arith.addi %and3A_53, %add3A_267 : vector<16xi32>
          %gather3A_269 = tpu.vector_load_idx %arg7[%add3A_268, %add3A_225] : memref<256x64xf32, #tpu.memory_space<vmem>>[vector<16xi32>, vector<16xi32>], vector<16xf32>,
          %add3A_270 = arith.addf %gather3A_269, %gather3A : vector<16xf32>
          tpu.vector_store_idx %arg9[%add3A_225, %add3A_268], %add3A_270 : memref<64x256xf32, #tpu.memory_space<vmem>>[vector<16xi32>, vector<16xi32>], vector<16xf32>,
          %add3A_271 = vector.broadcast %mul3A_234 : i32 to vector<16xi32>
          %add3A_272 = arith.addi %and3A_59, %add3A_271 : vector<16xi32>
          %gather3A_273 = tpu.vector_load_idx %arg7[%add3A_272, %add3A_225] : memref<256x64xf32, #tpu.memory_space<vmem>>[vector<16xi32>, vector<16xi32>], vector<16xf32>,
          %add3A_274 = arith.addf %gather3A_273, %gather3A : vector<16xf32>
          tpu.vector_store_idx %arg9[%add3A_225, %add3A_272], %add3A_274 : memref<64x256xf32, #tpu.memory_space<vmem>>[vector<16xi32>, vector<16xi32>], vector<16xf32>,
          %add3A_275 = vector.broadcast %mul3A_234 : i32 to vector<16xi32>
          %add3A_276 = arith.addi %and3A_65, %add3A_275 : vector<16xi32>
          %gather3A_277 = tpu.vector_load_idx %arg7[%add3A_276, %add3A_225] : memref<256x64xf32, #tpu.memory_space<vmem>>[vector<16xi32>, vector<16xi32>], vector<16xf32>,
          %add3A_278 = arith.addf %gather3A_277, %gather3A : vector<16xf32>
          tpu.vector_store_idx %arg9[%add3A_225, %add3A_276], %add3A_278 : memref<64x256xf32, #tpu.memory_space<vmem>>[vector<16xi32>, vector<16xi32>], vector<16xf32>,
          %add3A_279 = vector.broadcast %mul3A_234 : i32 to vector<16xi32>
          %add3A_280 = arith.addi %and3A_71, %add3A_279 : vector<16xi32>
          %gather3A_281 = tpu.vector_load_idx %arg7[%add3A_280, %add3A_225] : memref<256x64xf32, #tpu.memory_space<vmem>>[vector<16xi32>, vector<16xi32>], vector<16xf32>,
          %add3A_282 = arith.addf %gather3A_281, %gather3A : vector<16xf32>
          tpu.vector_store_idx %arg9[%add3A_225, %add3A_280], %add3A_282 : memref<64x256xf32, #tpu.memory_space<vmem>>[vector<16xi32>, vector<16xi32>], vector<16xf32>,
          %add3A_283 = vector.broadcast %mul3A_234 : i32 to vector<16xi32>
          %add3A_284 = arith.addi %and3A_77, %add3A_283 : vector<16xi32>
          %gather3A_285 = tpu.vector_load_idx %arg7[%add3A_284, %add3A_225] : memref<256x64xf32, #tpu.memory_space<vmem>>[vector<16xi32>, vector<16xi32>], vector<16xf32>,
          %add3A_286 = arith.addf %gather3A_285, %gather3A : vector<16xf32>
          tpu.vector_store_idx %arg9[%add3A_225, %add3A_284], %add3A_286 : memref<64x256xf32, #tpu.memory_space<vmem>>[vector<16xi32>, vector<16xi32>], vector<16xf32>,
          %add3A_287 = vector.broadcast %mul3A_234 : i32 to vector<16xi32>
          %add3A_288 = arith.addi %and3A_83, %add3A_287 : vector<16xi32>
          %gather3A_289 = tpu.vector_load_idx %arg7[%add3A_288, %add3A_225] : memref<256x64xf32, #tpu.memory_space<vmem>>[vector<16xi32>, vector<16xi32>], vector<16xf32>,
          %add3A_290 = arith.addf %gather3A_289, %gather3A : vector<16xf32>
          tpu.vector_store_idx %arg9[%add3A_225, %add3A_288], %add3A_290 : memref<64x256xf32, #tpu.memory_space<vmem>>[vector<16xi32>, vector<16xi32>], vector<16xf32>,
          %add3A_291 = vector.broadcast %mul3A_234 : i32 to vector<16xi32>
          %add3A_292 = arith.addi %and3A_89, %add3A_291 : vector<16xi32>
          %gather3A_293 = tpu.vector_load_idx %arg7[%add3A_292, %add3A_225] : memref<256x64xf32, #tpu.memory_space<vmem>>[vector<16xi32>, vector<16xi32>], vector<16xf32>,
          %add3A_294 = arith.addf %gather3A_293, %gather3A : vector<16xf32>
          tpu.vector_store_idx %arg9[%add3A_225, %add3A_292], %add3A_294 : memref<64x256xf32, #tpu.memory_space<vmem>>[vector<16xi32>, vector<16xi32>], vector<16xf32>,
          %add3A_295 = vector.broadcast %mul3A_234 : i32 to vector<16xi32>
          %add3A_296 = arith.addi %and3A_95, %add3A_295 : vector<16xi32>
          %gather3A_297 = tpu.vector_load_idx %arg7[%add3A_296, %add3A_225] : memref<256x64xf32, #tpu.memory_space<vmem>>[vector<16xi32>, vector<16xi32>], vector<16xf32>,
          %add3A_298 = arith.addf %gather3A_297, %gather3A : vector<16xf32>
          tpu.vector_store_idx %arg9[%add3A_225, %add3A_296], %add3A_298 : memref<64x256xf32, #tpu.memory_space<vmem>>[vector<16xi32>, vector<16xi32>], vector<16xf32>,
        }
        %scan3A_231 = arith.constant 16 : i32
      }
      %scan3A_179 = arith.constant 4 : i32
      %dma_start3A_180 = arith.constant 0 : i32
      %dma_start3A_181 = tpu.memref_slice %arg5[%add3A_159, %dma_start3A_180, %add3A_127] : memref<20x64x16384xf32, #tpu.memory_space<hbm>> -> memref<1x64x256xf32, #tpu.memory_space<hbm>>
      %dma_start3A_182 = tpu.memref_squeeze %dma_start3A_181 : memref<1x64x256xf32, #tpu.memory_space<hbm>> -> memref<64x256xf32, #tpu.memory_space<hbm>>
      %dma_start3A_183 = arith.constant 0 : i32
      %dma_start3A_184 = tpu.memref_slice %arg5[%add3A_159, %dma_start3A_183, %add3A_127] : memref<20x64x16384xf32, #tpu.memory_space<hbm>> -> memref<1x64x256xf32, #tpu.memory_space<hbm>>
      %dma_start3A_185 = tpu.memref_squeeze %dma_start3A_184 : memref<1x64x256xf32, #tpu.memory_space<hbm>> -> memref<64x256xf32, #tpu.memory_space<hbm>>
      tpu.enqueue_dma source(%arg9 : memref<64x256xf32, #tpu.memory_space<vmem>>) target(%dma_start3A_185 : memref<64x256xf32, #tpu.memory_space<hbm>>) target_semaphore(%arg14 : memref<!tpu.dma_semaphore, #tpu.memory_space<semaphore_mem>>)
      %mul3A_186 = arith.constant 2 : i32
      %mul3A_187 = arith.muli %mul3A_186, %scan3A_155 : i32
      %add3A_188 = arith.constant 1 : i32
      %add3A_189 = arith.addi %mul3A_187, %add3A_188 : i32
      %dma_wait3A_190 = arith.constant 0 : i32
      %dma_wait3A_191 = arith.constant 0 : i32
      %dma_wait3A_192 = tpu.memref_slice %arg3[%dma_wait3A_190, %dma_wait3A_191] : memref<1000000x64xf32, #tpu.memory_space<hbm>> -> memref<256x64xf32, #tpu.memory_space<hbm>>
      %dma_wait3A_193 = arith.constant 0 : i32
      %dma_wait3A_194 = arith.constant 0 : i32
      %dma_wait3A_195 = tpu.memref_slice %arg3[%dma_wait3A_193, %dma_wait3A_194] : memref<1000000x64xf32, #tpu.memory_space<hbm>> -> memref<256x64xf32, #tpu.memory_space<hbm>>
      tpu.wait_dma2 semaphore(%arg13 : memref<!tpu.dma_semaphore, #tpu.memory_space<semaphore_mem>>) src(%dma_wait3A_195 : memref<256x64xf32, #tpu.memory_space<hbm>>) dst(%arg8 : memref<256x64xf32, #tpu.memory_space<vmem>>)
      %add3A_196 = arith.constant 1 : i32
      %add3A_197 = arith.addi %add3A_189, %add3A_196 : i32
      %lt3A_198 = arith.constant 20 : i32
      %lt3A_199 = arith.cmpi slt, %add3A_197, %lt3A_198 : i32
      %convert_element_type3A_200 = arith.extui %lt3A_199 : i1 to i32
      %cond3A_201 = arith.constant 0 : i32
      %cond3A_202 = arith.cmpi ne, %convert_element_type3A_200, %cond3A_201 : i32
      scf.if %cond3A_202 {
        %add3A_221 = arith.constant 1 : i32
        %add3A_222 = arith.addi %add3A_189, %add3A_221 : i32
        %dma_start3A_223 = arith.constant 0 : i32
        %dma_start3A_224 = tpu.memref_slice %arg6[%add3A_222, %dma_start3A_223] : memref<20x256xi32, #tpu.memory_space<vmem>> -> memref<1x256xi32, #tpu.memory_space<vmem>>
        %dma_start3A_225 = tpu.memref_squeeze %dma_start3A_224 : memref<1x256xi32, #tpu.memory_space<vmem>> -> memref<256xi32, #tpu.memory_space<vmem>>
        %dma_start3A_226 = arith.constant 0 : i32
        %dma_start3A_227 = arith.constant 0 : i32
        %dma_start3A_228 = tpu.memref_slice %arg3[%dma_start3A_226, %dma_start3A_227] : memref<1000000x64xf32, #tpu.memory_space<hbm>> -> memref<1000000x64xf32, #tpu.memory_space<hbm>>
        tpu.enqueue_indirect_dma source(%dma_start3A_228 : memref<1000000x64xf32, #tpu.memory_space<hbm>>) target(%arg7 : memref<256x64xf32, #tpu.memory_space<vmem>>) offsets(%dma_start3A_225 : memref<256xi32, #tpu.memory_space<vmem>>) semaphore(%arg12 : memref<!tpu.dma_semaphore, #tpu.memory_space<semaphore_mem>>)
      } else {
      }
      %ge3A_203 = arith.constant 2 : i32
      %ge3A_204 = arith.cmpi sge, %add3A_189, %ge3A_203 : i32
      %convert_element_type3A_205 = arith.extui %ge3A_204 : i1 to i32
      %cond3A_206 = arith.constant 0 : i32
      %cond3A_207 = arith.cmpi ne, %convert_element_type3A_205, %cond3A_206 : i32
      scf.if %cond3A_207 {
        %dma_wait3A_221 = arith.constant 0 : i32
        %dma_wait3A_222 = arith.constant 0 : i32
        %dma_wait3A_223 = tpu.memref_slice %arg5[%dma_wait3A_221, %dma_wait3A_222, %add3A_127] : memref<20x64x16384xf32, #tpu.memory_space<hbm>> -> memref<1x64x256xf32, #tpu.memory_space<hbm>>
        %dma_wait3A_224 = tpu.memref_squeeze %dma_wait3A_223 : memref<1x64x256xf32, #tpu.memory_space<hbm>> -> memref<64x256xf32, #tpu.memory_space<hbm>>
        %dma_wait3A_225 = arith.constant 0 : i32
        %dma_wait3A_226 = tpu.memref_slice %arg5[%dma_wait3A_221, %dma_wait3A_225, %add3A_127] : memref<20x64x16384xf32, #tpu.memory_space<hbm>> -> memref<1x64x256xf32, #tpu.memory_space<hbm>>
        %dma_wait3A_227 = tpu.memref_squeeze %dma_wait3A_226 : memref<1x64x256xf32, #tpu.memory_space<hbm>> -> memref<64x256xf32, #tpu.memory_space<hbm>>
        tpu.wait_dma2 semaphore(%arg15 : memref<!tpu.dma_semaphore, #tpu.memory_space<semaphore_mem>>) src(%arg10 : memref<64x256xf32, #tpu.memory_space<vmem>>) dst(%dma_wait3A_227 : memref<64x256xf32, #tpu.memory_space<hbm>>)
      } else {
      }
      %broadcast_in_dim3A_208 = vector.broadcast %add3A_189 : i32 to vector<16xi32>
      %scan3A_209 = arith.constant 0 : i32
      %scan3A_210 = arith.constant 0 : i32
      %scan3A_211 = arith.constant 4 : i32
      %scan3A_212 = arith.addi %scan3A_210, %scan3A_211 : i32
      %scan3A_213 = arith.constant 1 : i32
      scf.for %scan3A_221 = %scan3A_210 to %scan3A_212 step %scan3A_213  : i32 {
        %mul3A_222 = arith.constant 16 : i32
        %mul3A_223 = arith.muli %scan3A_221, %mul3A_222 : i32
        %add3A_224 = vector.broadcast %mul3A_223 : i32 to vector<16xi32>
        %add3A_225 = arith.addi %iota3A, %add3A_224 : vector<16xi32>
        %gather3A = tpu.vector_load_idx %arg11[%broadcast_in_dim3A_208, %add3A_225] : memref<32x64xf32, #tpu.memory_space<vmem>>[vector<16xi32>, vector<16xi32>], vector<16xf32>,
        %scan3A_226 = arith.constant 0 : i32
        %scan3A_227 = arith.constant 0 : i32
        %scan3A_228 = arith.constant 16 : i32
        %scan3A_229 = arith.addi %scan3A_227, %scan3A_228 : i32
        %scan3A_230 = arith.constant 1 : i32
        scf.for %scan3A_232 = %scan3A_227 to %scan3A_229 step %scan3A_230  : i32 {
          %mul3A_233 = arith.constant 16 : i32
          %mul3A_234 = arith.muli %scan3A_232, %mul3A_233 : i32
          %add3A_235 = vector.broadcast %mul3A_234 : i32 to vector<16xi32>
          %add3A_236 = arith.addi %and3A_5, %add3A_235 : vector<16xi32>
          %gather3A_237 = tpu.vector_load_idx %arg8[%add3A_236, %add3A_225] : memref<256x64xf32, #tpu.memory_space<vmem>>[vector<16xi32>, vector<16xi32>], vector<16xf32>,
          %add3A_238 = arith.addf %gather3A_237, %gather3A : vector<16xf32>
          tpu.vector_store_idx %arg10[%add3A_225, %add3A_236], %add3A_238 : memref<64x256xf32, #tpu.memory_space<vmem>>[vector<16xi32>, vector<16xi32>], vector<16xf32>,
          %add3A_239 = vector.broadcast %mul3A_234 : i32 to vector<16xi32>
          %add3A_240 = arith.addi %and3A_11, %add3A_239 : vector<16xi32>
          %gather3A_241 = tpu.vector_load_idx %arg8[%add3A_240, %add3A_225] : memref<256x64xf32, #tpu.memory_space<vmem>>[vector<16xi32>, vector<16xi32>], vector<16xf32>,
          %add3A_242 = arith.addf %gather3A_241, %gather3A : vector<16xf32>
          tpu.vector_store_idx %arg10[%add3A_225, %add3A_240], %add3A_242 : memref<64x256xf32, #tpu.memory_space<vmem>>[vector<16xi32>, vector<16xi32>], vector<16xf32>,
          %add3A_243 = vector.broadcast %mul3A_234 : i32 to vector<16xi32>
          %add3A_244 = arith.addi %and3A_17, %add3A_243 : vector<16xi32>
          %gather3A_245 = tpu.vector_load_idx %arg8[%add3A_244, %add3A_225] : memref<256x64xf32, #tpu.memory_space<vmem>>[vector<16xi32>, vector<16xi32>], vector<16xf32>,
          %add3A_246 = arith.addf %gather3A_245, %gather3A : vector<16xf32>
          tpu.vector_store_idx %arg10[%add3A_225, %add3A_244], %add3A_246 : memref<64x256xf32, #tpu.memory_space<vmem>>[vector<16xi32>, vector<16xi32>], vector<16xf32>,
          %add3A_247 = vector.broadcast %mul3A_234 : i32 to vector<16xi32>
          %add3A_248 = arith.addi %and3A_23, %add3A_247 : vector<16xi32>
          %gather3A_249 = tpu.vector_load_idx %arg8[%add3A_248, %add3A_225] : memref<256x64xf32, #tpu.memory_space<vmem>>[vector<16xi32>, vector<16xi32>], vector<16xf32>,
          %add3A_250 = arith.addf %gather3A_249, %gather3A : vector<16xf32>
          tpu.vector_store_idx %arg10[%add3A_225, %add3A_248], %add3A_250 : memref<64x256xf32, #tpu.memory_space<vmem>>[vector<16xi32>, vector<16xi32>], vector<16xf32>,
          %add3A_251 = vector.broadcast %mul3A_234 : i32 to vector<16xi32>
          %add3A_252 = arith.addi %and3A_29, %add3A_251 : vector<16xi32>
          %gather3A_253 = tpu.vector_load_idx %arg8[%add3A_252, %add3A_225] : memref<256x64xf32, #tpu.memory_space<vmem>>[vector<16xi32>, vector<16xi32>], vector<16xf32>,
          %add3A_254 = arith.addf %gather3A_253, %gather3A : vector<16xf32>
          tpu.vector_store_idx %arg10[%add3A_225, %add3A_252], %add3A_254 : memref<64x256xf32, #tpu.memory_space<vmem>>[vector<16xi32>, vector<16xi32>], vector<16xf32>,
          %add3A_255 = vector.broadcast %mul3A_234 : i32 to vector<16xi32>
          %add3A_256 = arith.addi %and3A_35, %add3A_255 : vector<16xi32>
          %gather3A_257 = tpu.vector_load_idx %arg8[%add3A_256, %add3A_225] : memref<256x64xf32, #tpu.memory_space<vmem>>[vector<16xi32>, vector<16xi32>], vector<16xf32>,
          %add3A_258 = arith.addf %gather3A_257, %gather3A : vector<16xf32>
          tpu.vector_store_idx %arg10[%add3A_225, %add3A_256], %add3A_258 : memref<64x256xf32, #tpu.memory_space<vmem>>[vector<16xi32>, vector<16xi32>], vector<16xf32>,
          %add3A_259 = vector.broadcast %mul3A_234 : i32 to vector<16xi32>
          %add3A_260 = arith.addi %and3A_41, %add3A_259 : vector<16xi32>
          %gather3A_261 = tpu.vector_load_idx %arg8[%add3A_260, %add3A_225] : memref<256x64xf32, #tpu.memory_space<vmem>>[vector<16xi32>, vector<16xi32>], vector<16xf32>,
          %add3A_262 = arith.addf %gather3A_261, %gather3A : vector<16xf32>
          tpu.vector_store_idx %arg10[%add3A_225, %add3A_260], %add3A_262 : memref<64x256xf32, #tpu.memory_space<vmem>>[vector<16xi32>, vector<16xi32>], vector<16xf32>,
          %add3A_263 = vector.broadcast %mul3A_234 : i32 to vector<16xi32>
          %add3A_264 = arith.addi %and3A_47, %add3A_263 : vector<16xi32>
          %gather3A_265 = tpu.vector_load_idx %arg8[%add3A_264, %add3A_225] : memref<256x64xf32, #tpu.memory_space<vmem>>[vector<16xi32>, vector<16xi32>], vector<16xf32>,
          %add3A_266 = arith.addf %gather3A_265, %gather3A : vector<16xf32>
          tpu.vector_store_idx %arg10[%add3A_225, %add3A_264], %add3A_266 : memref<64x256xf32, #tpu.memory_space<vmem>>[vector<16xi32>, vector<16xi32>], vector<16xf32>,
          %add3A_267 = vector.broadcast %mul3A_234 : i32 to vector<16xi32>
          %add3A_268 = arith.addi %and3A_53, %add3A_267 : vector<16xi32>
          %gather3A_269 = tpu.vector_load_idx %arg8[%add3A_268, %add3A_225] : memref<256x64xf32, #tpu.memory_space<vmem>>[vector<16xi32>, vector<16xi32>], vector<16xf32>,
          %add3A_270 = arith.addf %gather3A_269, %gather3A : vector<16xf32>
          tpu.vector_store_idx %arg10[%add3A_225, %add3A_268], %add3A_270 : memref<64x256xf32, #tpu.memory_space<vmem>>[vector<16xi32>, vector<16xi32>], vector<16xf32>,
          %add3A_271 = vector.broadcast %mul3A_234 : i32 to vector<16xi32>
          %add3A_272 = arith.addi %and3A_59, %add3A_271 : vector<16xi32>
          %gather3A_273 = tpu.vector_load_idx %arg8[%add3A_272, %add3A_225] : memref<256x64xf32, #tpu.memory_space<vmem>>[vector<16xi32>, vector<16xi32>], vector<16xf32>,
          %add3A_274 = arith.addf %gather3A_273, %gather3A : vector<16xf32>
          tpu.vector_store_idx %arg10[%add3A_225, %add3A_272], %add3A_274 : memref<64x256xf32, #tpu.memory_space<vmem>>[vector<16xi32>, vector<16xi32>], vector<16xf32>,
          %add3A_275 = vector.broadcast %mul3A_234 : i32 to vector<16xi32>
          %add3A_276 = arith.addi %and3A_65, %add3A_275 : vector<16xi32>
          %gather3A_277 = tpu.vector_load_idx %arg8[%add3A_276, %add3A_225] : memref<256x64xf32, #tpu.memory_space<vmem>>[vector<16xi32>, vector<16xi32>], vector<16xf32>,
          %add3A_278 = arith.addf %gather3A_277, %gather3A : vector<16xf32>
          tpu.vector_store_idx %arg10[%add3A_225, %add3A_276], %add3A_278 : memref<64x256xf32, #tpu.memory_space<vmem>>[vector<16xi32>, vector<16xi32>], vector<16xf32>,
          %add3A_279 = vector.broadcast %mul3A_234 : i32 to vector<16xi32>
          %add3A_280 = arith.addi %and3A_71, %add3A_279 : vector<16xi32>
          %gather3A_281 = tpu.vector_load_idx %arg8[%add3A_280, %add3A_225] : memref<256x64xf32, #tpu.memory_space<vmem>>[vector<16xi32>, vector<16xi32>], vector<16xf32>,
          %add3A_282 = arith.addf %gather3A_281, %gather3A : vector<16xf32>
          tpu.vector_store_idx %arg10[%add3A_225, %add3A_280], %add3A_282 : memref<64x256xf32, #tpu.memory_space<vmem>>[vector<16xi32>, vector<16xi32>], vector<16xf32>,
          %add3A_283 = vector.broadcast %mul3A_234 : i32 to vector<16xi32>
          %add3A_284 = arith.addi %and3A_77, %add3A_283 : vector<16xi32>
          %gather3A_285 = tpu.vector_load_idx %arg8[%add3A_284, %add3A_225] : memref<256x64xf32, #tpu.memory_space<vmem>>[vector<16xi32>, vector<16xi32>], vector<16xf32>,
          %add3A_286 = arith.addf %gather3A_285, %gather3A : vector<16xf32>
          tpu.vector_store_idx %arg10[%add3A_225, %add3A_284], %add3A_286 : memref<64x256xf32, #tpu.memory_space<vmem>>[vector<16xi32>, vector<16xi32>], vector<16xf32>,
          %add3A_287 = vector.broadcast %mul3A_234 : i32 to vector<16xi32>
          %add3A_288 = arith.addi %and3A_83, %add3A_287 : vector<16xi32>
          %gather3A_289 = tpu.vector_load_idx %arg8[%add3A_288, %add3A_225] : memref<256x64xf32, #tpu.memory_space<vmem>>[vector<16xi32>, vector<16xi32>], vector<16xf32>,
          %add3A_290 = arith.addf %gather3A_289, %gather3A : vector<16xf32>
          tpu.vector_store_idx %arg10[%add3A_225, %add3A_288], %add3A_290 : memref<64x256xf32, #tpu.memory_space<vmem>>[vector<16xi32>, vector<16xi32>], vector<16xf32>,
          %add3A_291 = vector.broadcast %mul3A_234 : i32 to vector<16xi32>
          %add3A_292 = arith.addi %and3A_89, %add3A_291 : vector<16xi32>
          %gather3A_293 = tpu.vector_load_idx %arg8[%add3A_292, %add3A_225] : memref<256x64xf32, #tpu.memory_space<vmem>>[vector<16xi32>, vector<16xi32>], vector<16xf32>,
          %add3A_294 = arith.addf %gather3A_293, %gather3A : vector<16xf32>
          tpu.vector_store_idx %arg10[%add3A_225, %add3A_292], %add3A_294 : memref<64x256xf32, #tpu.memory_space<vmem>>[vector<16xi32>, vector<16xi32>], vector<16xf32>,
          %add3A_295 = vector.broadcast %mul3A_234 : i32 to vector<16xi32>
          %add3A_296 = arith.addi %and3A_95, %add3A_295 : vector<16xi32>
          %gather3A_297 = tpu.vector_load_idx %arg8[%add3A_296, %add3A_225] : memref<256x64xf32, #tpu.memory_space<vmem>>[vector<16xi32>, vector<16xi32>], vector<16xf32>,
          %add3A_298 = arith.addf %gather3A_297, %gather3A : vector<16xf32>
          tpu.vector_store_idx %arg10[%add3A_225, %add3A_296], %add3A_298 : memref<64x256xf32, #tpu.memory_space<vmem>>[vector<16xi32>, vector<16xi32>], vector<16xf32>,
        }
        %scan3A_231 = arith.constant 16 : i32
      }
      %scan3A_214 = arith.constant 4 : i32
      %dma_start3A_215 = arith.constant 0 : i32
      %dma_start3A_216 = tpu.memref_slice %arg5[%add3A_189, %dma_start3A_215, %add3A_127] : memref<20x64x16384xf32, #tpu.memory_space<hbm>> -> memref<1x64x256xf32, #tpu.memory_space<hbm>>
      %dma_start3A_217 = tpu.memref_squeeze %dma_start3A_216 : memref<1x64x256xf32, #tpu.memory_space<hbm>> -> memref<64x256xf32, #tpu.memory_space<hbm>>
      %dma_start3A_218 = arith.constant 0 : i32
      %dma_start3A_219 = tpu.memref_slice %arg5[%add3A_189, %dma_start3A_218, %add3A_127] : memref<20x64x16384xf32, #tpu.memory_space<hbm>> -> memref<1x64x256xf32, #tpu.memory_space<hbm>>
      %dma_start3A_220 = tpu.memref_squeeze %dma_start3A_219 : memref<1x64x256xf32, #tpu.memory_space<hbm>> -> memref<64x256xf32, #tpu.memory_space<hbm>>
      tpu.enqueue_dma source(%arg10 : memref<64x256xf32, #tpu.memory_space<vmem>>) target(%dma_start3A_220 : memref<64x256xf32, #tpu.memory_space<hbm>>) target_semaphore(%arg15 : memref<!tpu.dma_semaphore, #tpu.memory_space<semaphore_mem>>)
    }
    %scan3A_140 = arith.constant 10 : i32
    %dma_wait3A_141 = arith.constant 0 : i32
    %dma_wait3A_142 = arith.constant 0 : i32
    %dma_wait3A_143 = tpu.memref_slice %arg5[%dma_wait3A_141, %dma_wait3A_142, %add3A_127] : memref<20x64x16384xf32, #tpu.memory_space<hbm>> -> memref<1x64x256xf32, #tpu.memory_space<hbm>>
    %dma_wait3A_144 = tpu.memref_squeeze %dma_wait3A_143 : memref<1x64x256xf32, #tpu.memory_space<hbm>> -> memref<64x256xf32, #tpu.memory_space<hbm>>
    %dma_wait3A_145 = arith.constant 0 : i32
    %dma_wait3A_146 = tpu.memref_slice %arg5[%dma_wait3A_141, %dma_wait3A_145, %add3A_127] : memref<20x64x16384xf32, #tpu.memory_space<hbm>> -> memref<1x64x256xf32, #tpu.memory_space<hbm>>
    %dma_wait3A_147 = tpu.memref_squeeze %dma_wait3A_146 : memref<1x64x256xf32, #tpu.memory_space<hbm>> -> memref<64x256xf32, #tpu.memory_space<hbm>>
    tpu.wait_dma2 semaphore(%arg14 : memref<!tpu.dma_semaphore, #tpu.memory_space<semaphore_mem>>) src(%arg9 : memref<64x256xf32, #tpu.memory_space<vmem>>) dst(%dma_wait3A_147 : memref<64x256xf32, #tpu.memory_space<hbm>>)
    %dma_wait3A_148 = arith.constant 0 : i32
    %dma_wait3A_149 = arith.constant 0 : i32
    %dma_wait3A_150 = tpu.memref_slice %arg5[%dma_wait3A_148, %dma_wait3A_149, %add3A_127] : memref<20x64x16384xf32, #tpu.memory_space<hbm>> -> memref<1x64x256xf32, #tpu.memory_space<hbm>>
    %dma_wait3A_151 = tpu.memref_squeeze %dma_wait3A_150 : memref<1x64x256xf32, #tpu.memory_space<hbm>> -> memref<64x256xf32, #tpu.memory_space<hbm>>
    %dma_wait3A_152 = arith.constant 0 : i32
    %dma_wait3A_153 = tpu.memref_slice %arg5[%dma_wait3A_148, %dma_wait3A_152, %add3A_127] : memref<20x64x16384xf32, #tpu.memory_space<hbm>> -> memref<1x64x256xf32, #tpu.memory_space<hbm>>
    %dma_wait3A_154 = tpu.memref_squeeze %dma_wait3A_153 : memref<1x64x256xf32, #tpu.memory_space<hbm>> -> memref<64x256xf32, #tpu.memory_space<hbm>>
    tpu.wait_dma2 semaphore(%arg15 : memref<!tpu.dma_semaphore, #tpu.memory_space<semaphore_mem>>) src(%arg10 : memref<64x256xf32, #tpu.memory_space<vmem>>) dst(%dma_wait3A_154 : memref<64x256xf32, #tpu.memory_space<hbm>>)
    return
  }
}

</mosaic_0001>

<sc_bundles>
// kernel: kernel.3.cloned.1.call-start
scs
__scs_entry_jumppad:
0x0: {  	(pc) =	sbr.rel $0x88, $3  }
0x1: {  	(tag) =	ssettag $0x0;
	lr =	simm.s32 $0x1  }
0x2: {  	[smem:$0x3F9E] =	sst lr;
	_ =	strace $0xD0000000  }
0x3: {  	_ = 	snop  }
0x4: {  	_ = 	snop  }
0x5: {  	_ = 	snop  }
0x6: {  	_ = 	snop  }
0x7: {  	_ = 	snop  }
__scs_overlays_trampoline_lowered:
0x8: {  	[smem:$0x3FAD] =	sst s0  }
0x9: {  	[smem:$0x3FAE] =	sst s1  }
0xa: {  	[smem:$0x3FAF] =	sst s2  }
0xb: {  	[smem:$0x3FB0] =	sst s3  }
0xc: {  	[smem:$0x3FB1] =	sst s4  }
0xd: {  	[smem:$0x3FB2] =	sst s5  }
0xe: {  	[smem:$0x3FB3] =	sst s6  }
0xf: {  	[smem:$0x3FB4] =	sst s7  }
0x10: {  	[smem:$0x3FB5] =	sst s8  }
0x11: {  	[smem:$0x3FB6] =	sst s9;
	s0 =	simm.s32 @!p0 $0x0  }
0x12: {  	s1 =	sld [smem:$0x3F9C];
	s0 =	simm.s32 @p0 $0x1  }
0x13: {  	[smem:$0x3FB7] =	sst s0;
	s0 =	simm.s32 @!p1 $0x0  }
0x14: {  	s2 =	sld [smem:$0x3F9B];
	s0 =	simm.s32 @p1 $0x1  }
0x15: {  	[smem:$0x3FB8] =	sst s0;
	s0 =	simm.s32 @!p2 $0x0  }
0x16: {  	s3 =	sld [smem:$0x3FDB];
	s0 =	simm.s32 @p2 $0x1  }
0x17: {  	s4 =	simm.s32 $0x1BF5;
	[smem:$0x3FBA] =	sst s0  }
0x18: {  	s0 =	sld [smem:$0x3F9D];
	_ =	swait.ge [sflag:s4], $0x0  }
0x19: {  	s7 =	sld [smem:$0x3F9E]  }
0x1a: {  	s8 =	sadd.s32 $0xFFFFE003, lr  }
0x1b: {  	s9 =	sadd.s32 $0xFFFFFEF7, lr;
	s5 =	simm.s32 $0xFFFFFFFF;
	p2 =	slt.u32 s8, $0xFFFFF086  }
0x1c: {  	p1 =	slt.u32 s9, $0xF7A;
	s5 =	simm.s32 @!p2 $0x0  }
0x1d: {  	s5 =	simm.s32 @p1 $0x1;
	p0 =	seq.s32 s7, s2  }
0x1e: {  	s7 =	smul.u32 @!p0 $0xF7A, s2;
	p2 =	seq.s32 @!p0 s5, $0x0  }
0x1f: {  	s9 =	smul.u32 $0xF7A, s1;
	s8 =	simm.s32 @!p0 $0x1BF5;
	p2 =	por !p2, p0  }
0x20: {  	[sflag:s8] =	ssyncset.s32 @!p0 $0xFFFFF086;
	s6 =	sadd.s32 @!p0 s3, s7;
	s7 =	simm.s32 @!p0 $0x108  }
0x21: {  	s3 =	sadd.s32 s3, s9;
	s6 =	sadd.s32 @!p0 $0x88, s6;
	s7 =	simm.s32 @p2 $0x1082  }
0x22: {  	[simem:s7], [sflag:s8] =	dma.local @!p0 [hbm:s6], $0xF7A  }
0x23: {  	s9 =	sor.u32 $0xD0000000, s2;
	s6 =	simm.s32 $0x108;
	_ =	swait.ge @!p0 [sflag:s8], $0x0  }
0x24: {  	s3 =	sadd.s32 $0x88, s3;
	s6 =	simm.s32 @!p1 $0x1082;
	[sflag:s4] =	ssyncset.s32 $0xFFFFF086  }
0x25: {  	[simem:s6], [sflag:s4] =	dma.local [hbm:s3], $0xF7A  }
0x26: {  	[smem:$0x3F9E] =	sst s1;
	(tag) =	ssettag s2;
	_ =	strace s9  }
0x27: {  	s1 =	sld [smem:$0x3FAE]  }
0x28: {  	s2 =	sld [smem:$0x3FAF]  }
0x29: {  	s4 =	sld [smem:$0x3FB1]  }
0x2a: {  	p0 =	seq.s32 s5, $0x0;
	s5 =	sld [smem:$0x3FB2]  }
0x2b: {  	s6 =	sld [smem:$0x3FB3]  }
0x2c: {  	s7 =	sld [smem:$0x3FB4]  }
0x2d: {  	s3 =	simm.s32 $0x108;
	s8 =	sld [smem:$0x3FB5]  }
0x2e: {  	s3 =	simm.s32 @!p0 $0x1082;
	s9 =	sld [smem:$0x3FB6]  }
0x2f: {  	lr =	sadd.s32 s0, s3;
	s0 =	sld [smem:$0x3FAD]  }
0x30: {  	s3 =	sld [smem:$0x3FB0]  }
0x31: {  	[smem:$0x3FB9] =	sst s10  }
0x32: {  	s10 =	sld [smem:$0x3FB7];
	_ =	sdelay $0x3  }
0x33: {  	p0 =	seq.s32 s10, $0x1;
	s10 =	sld [smem:$0x3FB9];
	_ =	sdelay $0x3  }
0x34: {  	[smem:$0x3FB9] =	sst s10  }
0x35: {  	s10 =	sld [smem:$0x3FB8];
	_ =	sdelay $0x3  }
0x36: {  	p1 =	seq.s32 s10, $0x1;
	s10 =	sld [smem:$0x3FB9];
	_ =	sdelay $0x3  }
0x37: {  	[smem:$0x3FB9] =	sst s10  }
0x38: {  	s10 =	sld [smem:$0x3FBA]  }
0x39: {  	_ = 	snop;
	(pc) =	sbr.ind lr, $3  }
0x3a: {  	_ = 	snop  }
0x3b: {  	_ = 	snop  }
0x3c: {  	p2 =	seq.s32 s10, $0x1;
	s10 =	sld [smem:$0x3FB9]  }
0x3d: {  	_ =	shalt  }
0x3e: {  	_ =	shalt  }
0x3f: {  	_ =	shalt  }
0x40: {  	_ =	shalt  }
0x41: {  	_ =	shalt  }
0x42: {  	_ =	shalt  }
0x43: {  	_ =	shalt  }
0x44: {  	_ =	shalt  }
0x45: {  	_ =	shalt  }
0x46: {  	_ =	shalt  }
0x47: {  	_ =	shalt  }
0x48: {  	_ =	shalt  }
0x49: {  	_ =	shalt  }
0x4a: {  	_ =	shalt  }
0x4b: {  	_ =	shalt  }
0x4c: {  	_ =	shalt  }
0x4d: {  	_ =	shalt  }
0x4e: {  	_ =	shalt  }
0x4f: {  	_ =	shalt  }
0x50: {  	_ =	shalt  }
0x51: {  	_ =	shalt  }
0x52: {  	_ =	shalt  }
0x53: {  	_ =	shalt  }
0x54: {  	_ =	shalt  }
0x55: {  	_ =	shalt  }
0x56: {  	_ =	shalt  }
0x57: {  	_ =	shalt  }
0x58: {  	_ =	shalt  }
0x59: {  	_ =	shalt  }
0x5a: {  	_ =	shalt  }
0x5b: {  	_ =	shalt  }
0x5c: {  	_ =	shalt  }
0x5d: {  	_ =	shalt  }
0x5e: {  	_ =	shalt  }
0x5f: {  	_ =	shalt  }
0x60: {  	_ =	shalt  }
0x61: {  	_ =	shalt  }
0x62: {  	_ =	shalt  }
0x63: {  	_ =	shalt  }
0x64: {  	_ =	shalt  }
0x65: {  	_ =	shalt  }
0x66: {  	_ =	shalt  }
0x67: {  	_ =	shalt  }
0x68: {  	_ =	shalt  }
0x69: {  	_ =	shalt  }
0x6a: {  	_ =	shalt  }
0x6b: {  	_ =	shalt  }
0x6c: {  	_ =	shalt  }
0x6d: {  	_ =	shalt  }
0x6e: {  	_ =	shalt  }
0x6f: {  	_ =	shalt  }
0x70: {  	_ =	shalt  }
0x71: {  	_ =	shalt  }
0x72: {  	_ =	shalt  }
0x73: {  	_ =	shalt  }
0x74: {  	_ =	shalt  }
0x75: {  	_ =	shalt  }
0x76: {  	_ =	shalt  }
0x77: {  	_ =	shalt  }
0x78: {  	_ =	shalt  }
0x79: {  	_ =	shalt  }
0x7a: {  	_ =	shalt  }
0x7b: {  	_ =	shalt  }
0x7c: {  	_ =	shalt  }
0x7d: {  	_ =	shalt  }
0x7e: {  	_ =	shalt  }
0x7f: {  	_ =	shalt  }
0x80: {  	_ =	shalt  }
0x81: {  	_ =	shalt  }
0x82: {  	_ =	shalt  }
0x83: {  	_ =	shalt  }
0x84: {  	_ =	shalt  }
0x85: {  	_ =	shalt  }
0x86: {  	_ =	shalt  }
0x87: {  	_ =	shalt  }
.Lfunc_end0:
.L_simem_size_0:
called_computation_lowered:
.L_overlay_start_0:
0x88: {  	s2 =	sld [smem:$0x3FD9]  }
0x89: {  	s3 =	sld [smem:$0x3FFE];
	_ =	sdelay $0x1  }
0x8a: {  	s1 =	srdreg.scid  }
0x8b: {  	s0 =	sand.u32 $0x1, s1  }
0x8c: {  	s17 =	sshll.u32 s0, $0xA;
	s2 =	sadd.s32 s3, s2  }
0x8d: {  	s2 =	sadd.s32 s2, s17  }
0x8e: {  	[smem:$0x3FC5] =	sst s2  }
0x8f: {  	_ = 	snop  }
0x90: {  	s2 =	sld [smem:$0x3FD0];
	(tm) =	ssettm $0x1  }
0x91: {  	s18 =	sld [smem:$0x3FFB];
	_ =	sdelay $0x3  }
0x92: {  	_ =	strace s18  }
0x93: {  	s3 =	sld [smem:$0x3FFC];
	_ =	sdelay $0x3  }
0x94: {  	_ =	strace s3  }
0x95: {  	s3 =	sld [smem:$0x3FFD];
	_ =	sdelay $0x3  }
0x96: {  	_ =	strace s3  }
0x97: {  	_ =	strace $0x8FFFFFFF  }
0x98: {  	s19 =	sld [smem:$0x3FDB];
	_ =	sdelay $0x1  }
0x99: {  	s4 =	simm.s32 $_scs_section_size  }
0x9a: {  	s5 =	simm.s32 $_size__tile_overlayer_lowered;
	s6 =	simm.s32 $_tile_overlayer_lowered  }
0x9b: {  	s22 =	simm.s32 $0x1BFF;
	s21 =	sshll.u32 s6, $0x1;
	s3 =	sadd.s32 s4, s19  }
0x9c: {  	s7 =	simm.s32 $0x0;
	s20 =	sshll.u32 s5, $0x1;
	s5 =	sadd.s32 s21, s3  }
0x9d: {  	[timem:s7], [sflag:s22] =	dma.local [hbm:s5], s20  }
0x9e: {  	_ =	swait.ge [sflag:s22], s20  }
0x9f: {  	s4 =	ssub.s32 $0x0, s20;
	[sflag:s22] =	ssyncset.done $0x0  }
0xa0: {  	[sflag:s22] =	ssyncadd.s32 s4;
	_ =	sdelay $0x1  }
0xa1: {  	s23 =	simm.s32 $0x1B8B  }
0xa2: {  	_ =	swait.ge [sflag:s23], $0x1  }
0xa3: {  	[sflag:s23] =	ssyncset.done $0x0  }
0xa4: {  	s25 =	simm.s32 $0x1B8E;
	s24 =	sld [smem:$0x3FFE];
	[sflag:s23] =	ssyncadd.s32 $0xFFFFFFFF  }
0xa5: {  	s26 =	simm.s32 $execute0_lowered;
	[smem:$0x3FD2] =	sst s25  }
0xa6: {  	s5 =	sshll.u32 s26, $0x1;
	_ =	strace $0x80000046;
	[dreg:$0x1] =	wrdreg $0xFFFFFFFF  }
0xa7: {  	s28 =	simm.s32 $_size_execute0_lowered;
	s3 =	sadd.s32 s3, s5;
	[dreg:$0x0] =	wrdreg $0x0  }
0xa8: {  	s5 =	sshll.u32 s28, $0x1;
	[dreg:$0x2] =	wrdreg s3  }
0xa9: {  	[dreg:$0x3] =	wrdreg s5  }
0xaa: {  	[dreg:$0x4] =	wrdreg $0xC0  }
0xab: {  	_ =	task [dreg:s7], $0x5FFFF  }
0xac: {  	[dreg:$0x1] =	wrdreg $0xFFFFFFFF  }
0xad: {  	[dreg:$0x0] =	wrdreg $0x60  }
0xae: {  	[dreg:$0x2] =	wrdreg s2  }
0xaf: {  	[dreg:$0x3] =	wrdreg s24  }
0xb0: {  	[dreg:$0x4] =	wrdreg $0x9  }
0xb1: {  	_ =	task.clear_ibuf [dreg:s7], $0x5FFFF;
	_ =	strace $0x90000046  }
0xb2: {  	s29 =	simm.s32 $0x9;
	_ =	strace $0x80000048  }
0xb3: {  	_ =	swait.ge [sflag:s29], $0x1  }
0xb4: {  	[sflag:s29] =	ssyncadd.s32 $0xFFFFFFFF  }
0xb5: {  	_ =	strace $0x90000048  }
0xb6: {  	_ =	sfence  }
0xb7: {  	s30 =	sld [smem:$0x0];
	_ =	sdelay $0x2  }
0xb8: {  	s31 =	sshll.u32 s1, $0xD;
	s1 =	sshrl.u32 s1, $0x2  }
0xb9: {  	s3 =	sand.u32 $0x4000, s31;
	s1 =	sadd.s32 s1, s30  }
0xba: {  	s0 =	sor.u32 s3, s0;
	s1 =	sshll.u32 s1, $0x11  }
0xbb: {  	s0 =	sor.u32 s1, s0  }
0xbc: {  	s0 =	sadd.s32 $0x8F2B, s0  }
0xbd: {  	[sflag:s0] =	ssyncadd.remote.s32 $0x1  }
0xbe: {  	_ =	sfence.sel $0xFFFF  }
0xbf: {  	[dreg:$0x0] =	wrdreg $0xFFFFFFFF;
	(pc) =	sbr.abs _section_cstart, $3  }
0xc0: {  	[dreg:$0x1] =	wrdreg $0xFFFFFFFF  }
0xc1: {  	_ =	task.clear_ibuf [dreg:s7], $0x2FFFF;
	_ =	strace $0x9FFFFFFF  }
0xc2: {  	(tm) =	ssettm $0x7FFFFFFF  }
0xc3: {  	_ =	shalt  }
tec
execute0_lowered:
.L_overlay_start_1:
0x0: {  	(tag) =	ssettag $0x1  }
0x1: {  	v0 =	vlaneseq.u32;
	v2 =	vimm.s32 $0x7654321;
	v3 =	vimm.s32 $0x10765432  }
0x2: {  	v7 =	vimm.s32 $0x32107654;
	v8 =	vimm.s32 $0x54321076;
	v9 =	vimm.s32 $0x65432107  }
0x3: {  	v10 =	vimm.s32 $0xFEDCBA9;
	v11 =	vimm.s32 $0x87654321;
	v12 =	vimm.s32 $0x98765432  }
0x4: {  	v13 =	vimm.s32 $0x210FEDCB;
	v14 =	vimm.s32 $0xA9876543;
	v24 =	vimm.s32 $0xCBA98765  }
0x5: {  	v26 =	vimm.s32 $0x6543210F;
	v27 =	vimm.s32 $0xEDCBA987;
	v28 =	vimm.s32 $0xFEDCBA98  }
0x6: {  	v29 =	vimm.s32 $0x76543210;
	v1 =	vand.u32 $0x7, v0;
	v4 =	vunpack.c.l.s4.s8 v2  }
0x7: {  	v5 =	vunpack.c.l.s4.s8 v3;
	v3 =	vimm.s32 $0x21076543;
	v8 =	vunpack.c.l.s4.s8 v8  }
0x8: {  	v9 =	vunpack.c.l.s4.s8 v9;
	v10 =	vunpack.c.l.s4.s8 v10;
	v12 =	vunpack.c.l.s4.s8 v12  }
0x9: {  	v13 =	vunpack.c.l.s4.s8 v13;
	v26 =	vunpack.c.l.s4.s8 v26;
	v27 =	vunpack.c.l.s4.s8 v27  }
0xa: {  	v28 =	vunpack.c.l.s4.s8 v28;
	v2 =	vor.u32 $0x38, v1;
	v6 =	vunpack.c.l.s4.s8 v3  }
0xb: {  	v3 =	vunpack.c.0.s8.s32 v4;
	v4 =	vunpack.c.0.s8.s32 v5;
	v8 =	vunpack.c.0.s8.s32 v8  }
0xc: {  	v9 =	vunpack.c.0.s8.s32 v9;
	v16 =	vunpack.c.0.s8.s32 v10;
	v10 =	vunpack.c.l.s4.s8 v11  }
0xd: {  	v11 =	vimm.s32 $0x10FEDCBA;
	v19 =	vunpack.c.0.s8.s32 v12;
	v20 =	vunpack.c.0.s8.s32 v13  }
0xe: {  	v26 =	vunpack.c.0.s8.s32 v26;
	v27 =	vunpack.c.0.s8.s32 v27;
	v28 =	vunpack.c.0.s8.s32 v28  }
0xf: {  	v5 =	vunpack.c.0.s8.s32 v6;
	v6 =	vunpack.c.l.s4.s8 v7;
	v7 =	vimm.s32 $0x43210765  }
0x10: {  	v11 =	vunpack.c.l.s4.s8 v11;
	v7 =	vunpack.c.l.s4.s8 v7;
	v17 =	vunpack.c.0.s8.s32 v10  }
0x11: {  	v10 =	vunpack.c.l.s4.s8 v14;
	v32 =	vcombine.low v27, v26;
	v28 =	vand.u32 $0xF, v28  }
0x12: {  	v6 =	vunpack.c.0.s8.s32 v6;
	v18 =	vunpack.c.0.s8.s32 v11;
	v11 =	vimm.s32 $0x3210FEDC  }
0x13: {  	v7 =	vunpack.c.0.s8.s32 v7;
	v21 =	vunpack.c.0.s8.s32 v10;
	v10 =	vunpack.c.l.s4.s8 v11  }
0x14: {  	v11 =	vimm.s32 $0xBA987654;
	v12 =	vcombine.low v17, v16;
	v63 =	vcombine.low v16, v17  }
0x15: {  	s9 =	rddreg [dreg:$0x0];
	v17 =	vand.u32 $0xF, v32;
	v13 =	vcombine.low v19, v18;
	v11 =	vunpack.c.l.s4.s8 v11  }
0x16: {  	s5 =	rddreg [dreg:$0x1];
	v19 =	vcombine.low v18, v19;
	v14 =	vcombine.low v21, v20;
	v22 =	vunpack.c.0.s8.s32 v10  }
0x17: {  	s0 =	rddreg [dreg:$0x2];
	s1 =	simm.s32 $0x0;
	v10 =	vimm.s32 $0x43210FED;
	v20 =	vcombine.low v20, v21;
	v23 =	vunpack.c.0.s8.s32 v11  }
0x18: {  	s4 =	srdreg.scid;
	s2 =	stileid.u32;
	s12 =	simm.s32 $0x5;
	v15 =	vunpack.c.l.s4.s8 v10;
	v11 =	vand.u32 $0xF, v13;
	v13 =	vunpack.c.l.s4.s8 v24  }
0x19: {  	s13 =	simm.s32 $0x100;
	s14 =	simm.s32 $0x4000;
	s15 =	simm.s32 $0x1400;
	v18 =	vand.u32 $0xF, v63;
	v10 =	vand.u32 $0xF, v12;
	v19 =	vand.u32 $0xF, v19  }
0x1a: {  	s16 =	simm.s32 $0x1;
	s17 =	simm.s32 $0x5400;
	s18 =	simm.s32 $0x9400;
	v12 =	vand.u32 $0xF, v14;
	v24 =	vunpack.c.0.s8.s32 v15;
	v25 =	vunpack.c.0.s8.s32 v13  }
0x1b: {  	s19 =	simm.s32 $0x2;
	s20 =	simm.s32 $0xD400;
	s21 =	simm.s32 $0x3;
	v13 =	vimm.s32 $0x543210FE;
	v15 =	vimm.s32 $0xDCBA9876;
	v21 =	vcombine.low v22, v23  }
0x1c: {  	s22 =	simm.s32 $0x4;
	s23 =	simm.s32 $0x0;
	[smem:$0x7FF] =	sst s1;
	v20 =	vand.u32 $0xF, v20;
	v13 =	vunpack.c.l.s4.s8 v13;
	v15 =	vunpack.c.l.s4.s8 v15  }
0x1d: {  	s3 =	sadd.s32 $0xF42C00, s5;
	s6 =	sand.u32 $0x1, s4;
	s4 =	sadd.s32 $0x800, s5;
	v14 =	vcombine.low v23, v22;
	v22 =	vcombine.low v24, v25;
	v21 =	vand.u32 $0xF, v21  }
0x1e: {  	s7 =	sshll.u32 s2, $0x9;
	s5 =	sadd.s32 $0xA00, s5;
	s8 =	sshll.u32 s6, $0x8;
	v30 =	vunpack.c.0.s8.s32 v13;
	v31 =	vunpack.c.0.s8.s32 v15;
	v15 =	vunpack.c.l.s4.s8 v29  }
0x1f: {  	_ =	strace $0x80000047;
	s10 =	ssub.s32 $0x2, s6;
	s6 =	sor.u32 s8, s7;
	v13 =	vand.u32 $0xF, v14;
	v14 =	vcombine.low v25, v24;
	v24 =	vcombine.low v26, v27  }
0x20: {  	s30 =	sshrl.u32 s10, $0x1;
	s11 =	sshrl.u32 s6, $0x3;
	s7 =	sor.u32 $0x2000, s6;
	v15 =	vunpack.c.0.s8.s32 v15;
	v62 =	vcombine.low v31, v30;
	v23 =	vcombine.low v30, v31  }
0x21: {  	s10 =	ssub.s32 s10, s30;
	s8 =	sadd.s32 s9, s11;
	s31 =	sshrl.u32 s7, $0x3;
	v22 =	vand.u32 $0xF, v22;
	v14 =	vand.u32 $0xF, v14;
	v24 =	vand.u32 $0xF, v24  }
0x22: {  	s10 =	smax.u32 s10, $0x1;
	s11 =	simm.s32 $0x11400;
	s9 =	sadd.s32 s9, s31;
	v15 =	vcombine.low v28, v15;
	v16 =	vand.u32 $0xF, v62;
	v23 =	vand.u32 $0xF, v23  }
.LBB2_1:
0x23: {  	[tilespmem:s11], [sflag:$0x5] =	stream.linear.gather [hbm4b:s4+s1], $0x800, $0x38;
	[tilespmem:$0x11C00] =	vst v63  }
0x24: {  	_ =	swait.ge [sflag:s12], $0x800  }
0x25: {  	[sflag:s12] =	ssyncset.done $0x0  }
0x26: {  	[sflag:s12] =	ssyncadd.s32 $0xFFFFF800  }
0x27: {  	[tilespmem:s1], [sflag:$0x5] =	stream.strided.gather [hbm4b:s8+s13], $0x1400, s14, s13, $0x38;
	[tilespmem:$0x11C00] =	vst v63  }
0x28: {  	_ =	swait.ge [sflag:s12], $0x1400  }
0x29: {  	[sflag:s12] =	ssyncset.done $0x0  }
0x2a: {  	s24 =	simm.s32 $0x0;
	[sflag:s12] =	ssyncadd.s32 $0xFFFFEC00  }
0x2b: {  	[tilespmem:s15], [sflag:$0x1] =	stream.indirect.gather [hbm4b:s3+s13], $0x40, s1, s13, $0xb8;
	[tilespmem:$0x11C00] =	vst v63  }
.LBB2_2:
0x2c: {  	_ =	swait.ge [sflag:s16], $0x4000;
	s25 =	sshllo.u32 s24, $0x1  }
0x2d: {  	[sflag:s16] =	ssyncset.done $0x0;
	s26 =	sshll.u32 s25, $0x8  }
0x2e: {  	p0 =	seq.s32 s24, $0x0;
	[sflag:s16] =	ssyncadd.s32 $0xFFFFC000;
	s26 =	sand.u32 $0x3FFFFF00, s26  }
0x2f: {  	[tilespmem:s17], [sflag:$0x2] =	stream.indirect.gather [hbm4b:s3+s13], $0x40, s26, s13, $0xb8;
	[tilespmem:$0x11C00] =	vst v63  }
0x30: {  	s26 =	simm.s32 @!p0 $0x3  }
0x31: {  	s28 =	sshll.u32 s24, $0x1;
	_ =	swait.ge @!p0 [sflag:s26], $0x4000  }
0x32: {  	s28 =	sshll.u32 s28, $0x6;
	[sflag:s26] =	ssyncset.done @!p0 $0x0  }
0x33: {  	v25 =	vor.u32 s28, v1;
	s28 =	simm.s32 $0x0;
	[sflag:s26] =	ssyncadd.s32 @!p0 $0xFFFFC000;
	s26 =	simm.s32 $0x0  }
.LBB2_3:
0x34: {  	s29 =	sshll.u32 s28, $0x4  }
0x35: {  	v28 =	vor.u32 s29, v0  }
0x36: {  	v29 =	vor.u32 s26, v0;
	v26 =	vand.u32 $0x38, v28  }
0x37: {  	v30 =	vshll.u32 v29, $0x6;
	v27 =	vand.u32 v2, v28;
	v26 =	vor.u32 v25, v26  }
0x38: {  	v30 =	vor.u32 v27, v30;
	_ =	sdelay $0x3  }
0x39: {  	v26 =	vld.idx.msk [tilespmem:v26+s11+$0x0], $0xffff  }
0x3a: {  	v35 =	vshll.u32 v28, $0x8;
	v30 =	vld.idx.msk [tilespmem:v30+s15+$0x0], $0xffff  }
0x3b: {  	v31 =	vor.u32 s26, v10;
	v29 =	vand.u32 $0xF8, v29;
	v28 =	vor.u32 v1, v35  }
0x3c: {  	v32 =	vshll.u32 v31, $0x6;
	v29 =	vor.u32 v29, v28  }
0x3d: {  	v32 =	vor.u32 v27, v32;
	_ =	sdelay $0x1  }
0x3e: {  	v30 =	vadd.f32 v30, v26;
	_ =	sdelay $0x1  }
0x3f: {  	[tilespmem:v29+s18+$0x0] =	vst.idx.msk $0xffff, v30  }
0x40: {  	v30 =	vld.idx.msk [tilespmem:v32+s15+$0x0], $0xffff  }
0x41: {  	v55 =	vor.u32 s26, v11;
	v31 =	vand.u32 $0xF8, v31;
	v29 =	vor.u32 v3, v35  }
0x42: {  	v33 =	vshll.u32 v55, $0x6;
	v31 =	vor.u32 v31, v29  }
0x43: {  	v33 =	vor.u32 v27, v33;
	_ =	sdelay $0x1  }
0x44: {  	v30 =	vadd.f32 v30, v26;
	_ =	sdelay $0x1  }
0x45: {  	[tilespmem:v31+s18+$0x0] =	vst.idx.msk $0xffff, v30  }
0x46: {  	v31 =	vld.idx.msk [tilespmem:v33+s15+$0x0], $0xffff  }
0x47: {  	v56 =	vor.u32 s26, v12;
	v32 =	vand.u32 $0xF8, v55;
	v30 =	vor.u32 v4, v35  }
0x48: {  	v34 =	vshll.u32 v56, $0x6;
	v32 =	vor.u32 v32, v30  }
0x49: {  	v34 =	vor.u32 v27, v34;
	_ =	sdelay $0x1  }
0x4a: {  	v31 =	vadd.f32 v31, v26;
	_ =	sdelay $0x1  }
0x4b: {  	[tilespmem:v32+s18+$0x0] =	vst.idx.msk $0xffff, v31  }
0x4c: {  	v32 =	vld.idx.msk [tilespmem:v34+s15+$0x0], $0xffff  }
0x4d: {  	v57 =	vor.u32 s26, v13;
	v33 =	vand.u32 $0xF8, v56;
	v31 =	vor.u32 v5, v35  }
0x4e: {  	v36 =	vshll.u32 v57, $0x6;
	v33 =	vor.u32 v33, v31  }
0x4f: {  	v36 =	vor.u32 v27, v36;
	_ =	sdelay $0x1  }
0x50: {  	v32 =	vadd.f32 v32, v26;
	_ =	sdelay $0x1  }
0x51: {  	[tilespmem:v33+s18+$0x0] =	vst.idx.msk $0xffff, v32  }
0x52: {  	v33 =	vld.idx.msk [tilespmem:v36+s15+$0x0], $0xffff  }
0x53: {  	v58 =	vor.u32 s26, v14;
	v34 =	vand.u32 $0xF8, v57;
	v32 =	vor.u32 v6, v35  }
0x54: {  	v37 =	vshll.u32 v58, $0x6;
	v34 =	vor.u32 v34, v32  }
0x55: {  	v37 =	vor.u32 v27, v37;
	_ =	sdelay $0x1  }
0x56: {  	v33 =	vadd.f32 v33, v26;
	_ =	sdelay $0x1  }
0x57: {  	[tilespmem:v34+s18+$0x0] =	vst.idx.msk $0xffff, v33  }
0x58: {  	v34 =	vld.idx.msk [tilespmem:v37+s15+$0x0], $0xffff  }
0x59: {  	v59 =	vor.u32 s26, v16;
	v36 =	vand.u32 $0xF8, v58;
	v33 =	vor.u32 v7, v35  }
0x5a: {  	v38 =	vshll.u32 v59, $0x6;
	v36 =	vor.u32 v36, v33  }
0x5b: {  	v38 =	vor.u32 v27, v38;
	_ =	sdelay $0x1  }
0x5c: {  	v34 =	vadd.f32 v34, v26;
	_ =	sdelay $0x1  }
0x5d: {  	[tilespmem:v36+s18+$0x0] =	vst.idx.msk $0xffff, v34  }
0x5e: {  	v36 =	vld.idx.msk [tilespmem:v38+s15+$0x0], $0xffff  }
0x5f: {  	v60 =	vor.u32 s26, v17;
	v37 =	vand.u32 $0xF8, v59;
	v34 =	vor.u32 v8, v35  }
0x60: {  	v39 =	vshll.u32 v60, $0x6;
	v37 =	vor.u32 v37, v34  }
0x61: {  	v39 =	vor.u32 v27, v39;
	_ =	sdelay $0x1  }
0x62: {  	v36 =	vadd.f32 v36, v26;
	_ =	sdelay $0x1  }
0x63: {  	[tilespmem:v37+s18+$0x0] =	vst.idx.msk $0xffff, v36  }
0x64: {  	v36 =	vld.idx.msk [tilespmem:v39+s15+$0x0], $0xffff  }
0x65: {  	v62 =	vor.u32 s26, v15;
	v61 =	vand.u32 $0xF8, v60;
	v35 =	vor.u32 v9, v35  }
0x66: {  	v63 =	vshll.u32 v62, $0x6;
	v37 =	vor.u32 v61, v35  }
0x67: {  	v39 =	vor.u32 v27, v63;
	_ =	sdelay $0x1  }
0x68: {  	v36 =	vadd.f32 v36, v26;
	_ =	sdelay $0x1  }
0x69: {  	[tilespmem:v37+s18+$0x0] =	vst.idx.msk $0xffff, v36  }
0x6a: {  	v36 =	vld.idx.msk [tilespmem:v39+s15+$0x0], $0xffff  }
0x6b: {  	v42 =	vor.u32 s26, v18;
	v41 =	vand.u32 $0xF8, v62  }
0x6c: {  	v43 =	vshll.u32 v42, $0x6;
	v37 =	vor.u32 v41, v28  }
0x6d: {  	v39 =	vor.u32 v27, v43;
	_ =	sdelay $0x1  }
0x6e: {  	v36 =	vadd.f32 v36, v26;
	_ =	sdelay $0x1  }
0x6f: {  	[tilespmem:v37+s18+$0x0] =	vst.idx.msk $0xffff, v36  }
0x70: {  	v36 =	vld.idx.msk [tilespmem:v39+s15+$0x0], $0xffff  }
0x71: {  	v45 =	vor.u32 s26, v19;
	v44 =	vand.u32 $0xF8, v42  }
0x72: {  	v46 =	vshll.u32 v45, $0x6;
	v37 =	vor.u32 v44, v29  }
0x73: {  	v39 =	vor.u32 v27, v46;
	_ =	sdelay $0x1  }
0x74: {  	v36 =	vadd.f32 v36, v26;
	_ =	sdelay $0x1  }
0x75: {  	[tilespmem:v37+s18+$0x0] =	vst.idx.msk $0xffff, v36  }
0x76: {  	v36 =	vld.idx.msk [tilespmem:v39+s15+$0x0], $0xffff  }
0x77: {  	v48 =	vor.u32 s26, v20;
	v47 =	vand.u32 $0xF8, v45  }
0x78: {  	v49 =	vshll.u32 v48, $0x6;
	v37 =	vor.u32 v47, v30  }
0x79: {  	v39 =	vor.u32 v27, v49;
	_ =	sdelay $0x1  }
0x7a: {  	v36 =	vadd.f32 v36, v26;
	_ =	sdelay $0x1  }
0x7b: {  	[tilespmem:v37+s18+$0x0] =	vst.idx.msk $0xffff, v36  }
0x7c: {  	v36 =	vld.idx.msk [tilespmem:v39+s15+$0x0], $0xffff  }
0x7d: {  	v51 =	vor.u32 s26, v21;
	v50 =	vand.u32 $0xF8, v48  }
0x7e: {  	v52 =	vshll.u32 v51, $0x6;
	v37 =	vor.u32 v50, v31  }
0x7f: {  	v39 =	vor.u32 v27, v52;
	_ =	sdelay $0x1  }
0x80: {  	v36 =	vadd.f32 v36, v26;
	_ =	sdelay $0x1  }
0x81: {  	[tilespmem:v37+s18+$0x0] =	vst.idx.msk $0xffff, v36  }
0x82: {  	v36 =	vld.idx.msk [tilespmem:v39+s15+$0x0], $0xffff  }
0x83: {  	v54 =	vor.u32 s26, v22;
	v53 =	vand.u32 $0xF8, v51  }
0x84: {  	v55 =	vshll.u32 v54, $0x6;
	v37 =	vor.u32 v53, v32  }
0x85: {  	v39 =	vor.u32 v27, v55;
	_ =	sdelay $0x1  }
0x86: {  	v36 =	vadd.f32 v36, v26;
	_ =	sdelay $0x1  }
0x87: {  	[tilespmem:v37+s18+$0x0] =	vst.idx.msk $0xffff, v36  }
0x88: {  	v36 =	vld.idx.msk [tilespmem:v39+s15+$0x0], $0xffff  }
0x89: {  	v56 =	vand.u32 $0xF8, v54;
	v57 =	vor.u32 s26, v23  }
0x8a: {  	v58 =	vshll.u32 v57, $0x6;
	v37 =	vor.u32 v56, v33  }
0x8b: {  	v39 =	vor.u32 v27, v58;
	_ =	sdelay $0x1  }
0x8c: {  	v36 =	vadd.f32 v36, v26;
	_ =	sdelay $0x1  }
0x8d: {  	[tilespmem:v37+s18+$0x0] =	vst.idx.msk $0xffff, v36  }
0x8e: {  	v36 =	vld.idx.msk [tilespmem:v39+s15+$0x0], $0xffff  }
0x8f: {  	v60 =	vor.u32 s26, v24;
	v59 =	vand.u32 $0xF8, v57  }
0x90: {  	v61 =	vshll.u32 v60, $0x6;
	v37 =	vor.u32 v59, v34  }
0x91: {  	v39 =	vor.u32 v27, v61;
	_ =	sdelay $0x1  }
0x92: {  	v36 =	vadd.f32 v36, v26;
	_ =	sdelay $0x1  }
0x93: {  	[tilespmem:v37+s18+$0x0] =	vst.idx.msk $0xffff, v36  }
0x94: {  	s29 =	simm.s32 $0x10;
	v39 =	vld.idx.msk [tilespmem:v39+s15+$0x0], $0xffff  }
0x95: {  	v62 =	vor.u32 s29, v0;
	v63 =	vand.u32 $0xF8, v60  }
0x96: {  	v40 =	vshll.u32 v62, $0x6;
	v38 =	vor.u32 v63, v35  }
0x97: {  	v37 =	vor.u32 v27, v40;
	_ =	sdelay $0x1  }
0x98: {  	s30 =	simm.s32 $0x20;
	v36 =	vand.u32 $0xF8, v62;
	v39 =	vadd.f32 v39, v26  }
.LBB2_4:
0x99: {  	_ = 	snop  }
0x9a: {  	p0 =	sne.s32 s30, $0xF0;
	s31 =	smov.u32 s30;
	s30 =	sadd.s32 $0x10, s30;
	[tilespmem:v38+s18+$0x0] =	vst.idx.msk $0xffff, v39  }
0x9b: {  	v37 =	vld.idx.msk [tilespmem:v37+s15+$0x0], $0xffff;
	_ =	sdelay $0x1  }
0x9c: {  	v38 =	vor.u32 s29, v10  }
0x9d: {  	v36 =	vor.u32 v36, v28;
	v39 =	vshll.u32 v38, $0x6;
	v38 =	vand.u32 $0xF8, v38  }
0x9e: {  	v39 =	vor.u32 v27, v39;
	_ =	sdelay $0x1  }
0x9f: {  	v37 =	vadd.f32 v37, v26;
	_ =	sdelay $0x1  }
0xa0: {  	[tilespmem:v36+s18+$0x0] =	vst.idx.msk $0xffff, v37  }
0xa1: {  	v36 =	vld.idx.msk [tilespmem:v39+s15+$0x0], $0xffff;
	_ =	sdelay $0x1  }
0xa2: {  	v37 =	vor.u32 s29, v11  }
0xa3: {  	v38 =	vor.u32 v38, v29;
	v39 =	vshll.u32 v37, $0x6;
	v37 =	vand.u32 $0xF8, v37  }
0xa4: {  	v39 =	vor.u32 v27, v39;
	_ =	sdelay $0x1  }
0xa5: {  	v36 =	vadd.f32 v36, v26;
	_ =	sdelay $0x1  }
0xa6: {  	[tilespmem:v38+s18+$0x0] =	vst.idx.msk $0xffff, v36  }
0xa7: {  	v36 =	vld.idx.msk [tilespmem:v39+s15+$0x0], $0xffff;
	_ =	sdelay $0x1  }
0xa8: {  	v38 =	vor.u32 s29, v12  }
0xa9: {  	v37 =	vor.u32 v37, v30;
	v39 =	vshll.u32 v38, $0x6;
	v38 =	vand.u32 $0xF8, v38  }
0xaa: {  	v39 =	vor.u32 v27, v39;
	_ =	sdelay $0x1  }
0xab: {  	v36 =	vadd.f32 v36, v26;
	_ =	sdelay $0x1  }
0xac: {  	[tilespmem:v37+s18+$0x0] =	vst.idx.msk $0xffff, v36  }
0xad: {  	v36 =	vld.idx.msk [tilespmem:v39+s15+$0x0], $0xffff;
	_ =	sdelay $0x1  }
0xae: {  	v37 =	vor.u32 s29, v13  }
0xaf: {  	v38 =	vor.u32 v38, v31;
	v39 =	vshll.u32 v37, $0x6;
	v37 =	vand.u32 $0xF8, v37  }
0xb0: {  	v39 =	vor.u32 v27, v39;
	_ =	sdelay $0x1  }
0xb1: {  	v36 =	vadd.f32 v36, v26;
	_ =	sdelay $0x1  }
0xb2: {  	[tilespmem:v38+s18+$0x0] =	vst.idx.msk $0xffff, v36  }
0xb3: {  	v36 =	vld.idx.msk [tilespmem:v39+s15+$0x0], $0xffff;
	_ =	sdelay $0x1  }
0xb4: {  	v38 =	vor.u32 s29, v14  }
0xb5: {  	v37 =	vor.u32 v37, v32;
	v39 =	vshll.u32 v38, $0x6;
	v38 =	vand.u32 $0xF8, v38  }
0xb6: {  	v39 =	vor.u32 v27, v39;
	_ =	sdelay $0x1  }
0xb7: {  	v36 =	vadd.f32 v36, v26;
	_ =	sdelay $0x1  }
0xb8: {  	[tilespmem:v37+s18+$0x0] =	vst.idx.msk $0xffff, v36  }
0xb9: {  	v36 =	vld.idx.msk [tilespmem:v39+s15+$0x0], $0xffff;
	_ =	sdelay $0x1  }
0xba: {  	v37 =	vor.u32 s29, v16  }
0xbb: {  	v38 =	vor.u32 v38, v33;
	v39 =	vshll.u32 v37, $0x6;
	v37 =	vand.u32 $0xF8, v37  }
0xbc: {  	v39 =	vor.u32 v27, v39;
	_ =	sdelay $0x1  }
0xbd: {  	v36 =	vadd.f32 v36, v26;
	_ =	sdelay $0x1  }
0xbe: {  	[tilespmem:v38+s18+$0x0] =	vst.idx.msk $0xffff, v36  }
0xbf: {  	v36 =	vld.idx.msk [tilespmem:v39+s15+$0x0], $0xffff;
	_ =	sdelay $0x1  }
0xc0: {  	v38 =	vor.u32 s29, v17  }
0xc1: {  	v37 =	vor.u32 v37, v34;
	v39 =	vshll.u32 v38, $0x6;
	v38 =	vand.u32 $0xF8, v38  }
0xc2: {  	v39 =	vor.u32 v27, v39;
	_ =	sdelay $0x1  }
0xc3: {  	v36 =	vadd.f32 v36, v26;
	_ =	sdelay $0x1  }
0xc4: {  	[tilespmem:v37+s18+$0x0] =	vst.idx.msk $0xffff, v36  }
0xc5: {  	v36 =	vld.idx.msk [tilespmem:v39+s15+$0x0], $0xffff;
	_ =	sdelay $0x1  }
0xc6: {  	v37 =	vor.u32 s29, v15  }
0xc7: {  	v38 =	vor.u32 v38, v35;
	v39 =	vshll.u32 v37, $0x6;
	v37 =	vand.u32 $0xF8, v37  }
0xc8: {  	v39 =	vor.u32 v27, v39;
	_ =	sdelay $0x1  }
0xc9: {  	v36 =	vadd.f32 v36, v26;
	_ =	sdelay $0x1  }
0xca: {  	[tilespmem:v38+s18+$0x0] =	vst.idx.msk $0xffff, v36  }
0xcb: {  	v36 =	vld.idx.msk [tilespmem:v39+s15+$0x0], $0xffff;
	_ =	sdelay $0x1  }
0xcc: {  	v38 =	vor.u32 s29, v18  }
0xcd: {  	v37 =	vor.u32 v37, v28;
	v39 =	vshll.u32 v38, $0x6;
	v38 =	vand.u32 $0xF8, v38  }
0xce: {  	v39 =	vor.u32 v27, v39;
	_ =	sdelay $0x1  }
0xcf: {  	v36 =	vadd.f32 v36, v26;
	_ =	sdelay $0x1  }
0xd0: {  	[tilespmem:v37+s18+$0x0] =	vst.idx.msk $0xffff, v36  }
0xd1: {  	v36 =	vld.idx.msk [tilespmem:v39+s15+$0x0], $0xffff;
	_ =	sdelay $0x1  }
0xd2: {  	v37 =	vor.u32 s29, v19  }
0xd3: {  	v38 =	vor.u32 v38, v29;
	v39 =	vshll.u32 v37, $0x6;
	v37 =	vand.u32 $0xF8, v37  }
0xd4: {  	v39 =	vor.u32 v27, v39;
	_ =	sdelay $0x1  }
0xd5: {  	v36 =	vadd.f32 v36, v26;
	_ =	sdelay $0x1  }
0xd6: {  	[tilespmem:v38+s18+$0x0] =	vst.idx.msk $0xffff, v36  }
0xd7: {  	v36 =	vld.idx.msk [tilespmem:v39+s15+$0x0], $0xffff;
	_ =	sdelay $0x1  }
0xd8: {  	v38 =	vor.u32 s29, v20  }
0xd9: {  	v37 =	vor.u32 v37, v30;
	v39 =	vshll.u32 v38, $0x6;
	v38 =	vand.u32 $0xF8, v38  }
0xda: {  	v39 =	vor.u32 v27, v39;
	_ =	sdelay $0x1  }
0xdb: {  	v36 =	vadd.f32 v36, v26;
	_ =	sdelay $0x1  }
0xdc: {  	[tilespmem:v37+s18+$0x0] =	vst.idx.msk $0xffff, v36  }
0xdd: {  	v36 =	vld.idx.msk [tilespmem:v39+s15+$0x0], $0xffff;
	_ =	sdelay $0x1  }
0xde: {  	v37 =	vor.u32 s29, v21  }
0xdf: {  	v38 =	vor.u32 v38, v31;
	v39 =	vshll.u32 v37, $0x6;
	v37 =	vand.u32 $0xF8, v37  }
0xe0: {  	v39 =	vor.u32 v27, v39;
	_ =	sdelay $0x1  }
0xe1: {  	v36 =	vadd.f32 v36, v26;
	_ =	sdelay $0x1  }
0xe2: {  	[tilespmem:v38+s18+$0x0] =	vst.idx.msk $0xffff, v36  }
0xe3: {  	v36 =	vld.idx.msk [tilespmem:v39+s15+$0x0], $0xffff;
	_ =	sdelay $0x1  }
0xe4: {  	v38 =	vor.u32 s29, v22  }
0xe5: {  	v37 =	vor.u32 v37, v32;
	v39 =	vshll.u32 v38, $0x6;
	v38 =	vand.u32 $0xF8, v38  }
0xe6: {  	v39 =	vor.u32 v27, v39;
	_ =	sdelay $0x1  }
0xe7: {  	v36 =	vadd.f32 v36, v26;
	_ =	sdelay $0x1  }
0xe8: {  	[tilespmem:v37+s18+$0x0] =	vst.idx.msk $0xffff, v36  }
0xe9: {  	v36 =	vld.idx.msk [tilespmem:v39+s15+$0x0], $0xffff;
	_ =	sdelay $0x1  }
0xea: {  	v37 =	vor.u32 s29, v23  }
0xeb: {  	v38 =	vor.u32 v38, v33;
	v39 =	vshll.u32 v37, $0x6;
	v37 =	vand.u32 $0xF8, v37  }
0xec: {  	v39 =	vor.u32 v27, v39;
	_ =	sdelay $0x1  }
0xed: {  	v36 =	vadd.f32 v36, v26;
	_ =	sdelay $0x1  }
0xee: {  	[tilespmem:v38+s18+$0x0] =	vst.idx.msk $0xffff, v36  }
0xef: {  	v36 =	vld.idx.msk [tilespmem:v39+s15+$0x0], $0xffff;
	_ =	sdelay $0x1  }
0xf0: {  	v38 =	vor.u32 s29, v24;
	s29 =	smov.u32 s31  }
0xf1: {  	v37 =	vor.u32 v37, v34;
	v39 =	vshll.u32 v38, $0x6;
	v38 =	vand.u32 $0xF8, v38  }
0xf2: {  	v39 =	vor.u32 v27, v39;
	_ =	sdelay $0x1  }
0xf3: {  	v36 =	vadd.f32 v36, v26;
	_ =	sdelay $0x1  }
0xf4: {  	[tilespmem:v37+s18+$0x0] =	vst.idx.msk $0xffff, v36  }
0xf5: {  	v39 =	vld.idx.msk [tilespmem:v39+s15+$0x0], $0xffff;
	_ =	sdelay $0x1  }
.Ltmp0:
0xf6: {  	v36 =	vor.u32 s29, v0;
	(pc) =	sbr.rel @p0 .LBB2_4-.Ltmp0, $3  }
0xf7: {  	v38 =	vor.u32 v38, v35;
	v37 =	vshll.u32 v36, $0x6;
	v36 =	vand.u32 $0xF8, v36  }
0xf8: {  	v37 =	vor.u32 v27, v37;
	_ =	sdelay $0x1  }
0xf9: {  	v39 =	vadd.f32 v39, v26  }
0xfa: {  	_ =	sdelay $0x3  }
0xfb: {  	[tilespmem:v38+s18+$0x0] =	vst.idx.msk $0xffff, v39  }
0xfc: {  	v37 =	vld.idx.msk [tilespmem:v37+s15+$0x0], $0xffff  }
0xfd: {  	v63 =	vor.u32 s29, v10  }
0xfe: {  	v36 =	vor.u32 v36, v28;
	v42 =	vshll.u32 v63, $0x6  }
0xff: {  	v39 =	vor.u32 v27, v42;
	_ =	sdelay $0x1  }
0x100: {  	v37 =	vadd.f32 v37, v26;
	_ =	sdelay $0x1  }
0x101: {  	[tilespmem:v36+s18+$0x0] =	vst.idx.msk $0xffff, v37  }
0x102: {  	v36 =	vld.idx.msk [tilespmem:v39+s15+$0x0], $0xffff  }
0x103: {  	v44 =	vor.u32 s29, v11;
	v43 =	vand.u32 $0xF8, v63  }
0x104: {  	v45 =	vshll.u32 v44, $0x6;
	v37 =	vor.u32 v43, v29  }
0x105: {  	v39 =	vor.u32 v27, v45;
	_ =	sdelay $0x1  }
0x106: {  	v36 =	vadd.f32 v36, v26;
	_ =	sdelay $0x1  }
0x107: {  	[tilespmem:v37+s18+$0x0] =	vst.idx.msk $0xffff, v36  }
0x108: {  	v36 =	vld.idx.msk [tilespmem:v39+s15+$0x0], $0xffff  }
0x109: {  	v47 =	vor.u32 s29, v12;
	v46 =	vand.u32 $0xF8, v44  }
0x10a: {  	v48 =	vshll.u32 v47, $0x6;
	v37 =	vor.u32 v46, v30  }
0x10b: {  	v39 =	vor.u32 v27, v48;
	_ =	sdelay $0x1  }
0x10c: {  	v36 =	vadd.f32 v36, v26;
	_ =	sdelay $0x1  }
0x10d: {  	[tilespmem:v37+s18+$0x0] =	vst.idx.msk $0xffff, v36  }
0x10e: {  	v36 =	vld.idx.msk [tilespmem:v39+s15+$0x0], $0xffff  }
0x10f: {  	v50 =	vor.u32 s29, v13;
	v49 =	vand.u32 $0xF8, v47  }
0x110: {  	v51 =	vshll.u32 v50, $0x6;
	v37 =	vor.u32 v49, v31  }
0x111: {  	v39 =	vor.u32 v27, v51;
	_ =	sdelay $0x1  }
0x112: {  	v36 =	vadd.f32 v36, v26;
	_ =	sdelay $0x1  }
0x113: {  	[tilespmem:v37+s18+$0x0] =	vst.idx.msk $0xffff, v36  }
0x114: {  	v36 =	vld.idx.msk [tilespmem:v39+s15+$0x0], $0xffff  }
0x115: {  	v53 =	vor.u32 s29, v14;
	v52 =	vand.u32 $0xF8, v50  }
0x116: {  	v54 =	vshll.u32 v53, $0x6;
	v37 =	vor.u32 v52, v32  }
0x117: {  	v39 =	vor.u32 v27, v54;
	_ =	sdelay $0x1  }
0x118: {  	v36 =	vadd.f32 v36, v26;
	_ =	sdelay $0x1  }
0x119: {  	[tilespmem:v37+s18+$0x0] =	vst.idx.msk $0xffff, v36  }
0x11a: {  	v36 =	vld.idx.msk [tilespmem:v39+s15+$0x0], $0xffff  }
0x11b: {  	v56 =	vor.u32 s29, v16;
	v55 =	vand.u32 $0xF8, v53  }
0x11c: {  	v57 =	vshll.u32 v56, $0x6;
	v37 =	vor.u32 v55, v33  }
0x11d: {  	v39 =	vor.u32 v27, v57;
	_ =	sdelay $0x1  }
0x11e: {  	v36 =	vadd.f32 v36, v26;
	_ =	sdelay $0x1  }
0x11f: {  	[tilespmem:v37+s18+$0x0] =	vst.idx.msk $0xffff, v36  }
0x120: {  	v36 =	vld.idx.msk [tilespmem:v39+s15+$0x0], $0xffff  }
0x121: {  	v59 =	vor.u32 s29, v17;
	v58 =	vand.u32 $0xF8, v56  }
0x122: {  	v60 =	vshll.u32 v59, $0x6;
	v37 =	vor.u32 v58, v34  }
0x123: {  	v39 =	vor.u32 v27, v60;
	_ =	sdelay $0x1  }
0x124: {  	v36 =	vadd.f32 v36, v26;
	_ =	sdelay $0x1  }
0x125: {  	[tilespmem:v37+s18+$0x0] =	vst.idx.msk $0xffff, v36  }
0x126: {  	v36 =	vld.idx.msk [tilespmem:v39+s15+$0x0], $0xffff  }
0x127: {  	v62 =	vor.u32 s29, v15;
	v61 =	vand.u32 $0xF8, v59  }
0x128: {  	v63 =	vshll.u32 v62, $0x6;
	v37 =	vor.u32 v61, v35  }
0x129: {  	v39 =	vor.u32 v27, v63;
	_ =	sdelay $0x1  }
0x12a: {  	v36 =	vadd.f32 v36, v26;
	_ =	sdelay $0x1  }
0x12b: {  	[tilespmem:v37+s18+$0x0] =	vst.idx.msk $0xffff, v36  }
0x12c: {  	v36 =	vld.idx.msk [tilespmem:v39+s15+$0x0], $0xffff  }
0x12d: {  	v41 =	vor.u32 s29, v18;
	v40 =	vand.u32 $0xF8, v62  }
0x12e: {  	v42 =	vor.u32 v40, v28;
	v43 =	vshll.u32 v41, $0x6  }
0x12f: {  	v37 =	vor.u32 v27, v43;
	_ =	sdelay $0x1  }
0x130: {  	v36 =	vadd.f32 v36, v26;
	_ =	sdelay $0x1  }
0x131: {  	[tilespmem:v42+s18+$0x0] =	vst.idx.msk $0xffff, v36  }
0x132: {  	v28 =	vld.idx.msk [tilespmem:v37+s15+$0x0], $0xffff  }
0x133: {  	v44 =	vand.u32 $0xF8, v41;
	v45 =	vor.u32 s29, v19  }
0x134: {  	v47 =	vshll.u32 v45, $0x6;
	v46 =	vor.u32 v44, v29  }
0x135: {  	v36 =	vor.u32 v27, v47;
	_ =	sdelay $0x1  }
0x136: {  	v28 =	vadd.f32 v28, v26;
	_ =	sdelay $0x1  }
0x137: {  	[tilespmem:v46+s18+$0x0] =	vst.idx.msk $0xffff, v28  }
0x138: {  	v28 =	vld.idx.msk [tilespmem:v36+s15+$0x0], $0xffff  }
0x139: {  	v48 =	vand.u32 $0xF8, v45;
	v49 =	vor.u32 s29, v20  }
0x13a: {  	v29 =	vor.u32 v48, v30;
	v50 =	vshll.u32 v49, $0x6  }
0x13b: {  	v30 =	vor.u32 v27, v50;
	_ =	sdelay $0x1  }
0x13c: {  	v28 =	vadd.f32 v28, v26;
	_ =	sdelay $0x1  }
0x13d: {  	[tilespmem:v29+s18+$0x0] =	vst.idx.msk $0xffff, v28  }
0x13e: {  	v28 =	vld.idx.msk [tilespmem:v30+s15+$0x0], $0xffff  }
0x13f: {  	v51 =	vand.u32 $0xF8, v49;
	v52 =	vor.u32 s29, v21  }
0x140: {  	v53 =	vshll.u32 v52, $0x6;
	v29 =	vor.u32 v51, v31  }
0x141: {  	v31 =	vor.u32 v27, v53;
	_ =	sdelay $0x1  }
0x142: {  	v28 =	vadd.f32 v28, v26;
	_ =	sdelay $0x1  }
0x143: {  	[tilespmem:v29+s18+$0x0] =	vst.idx.msk $0xffff, v28  }
0x144: {  	v28 =	vld.idx.msk [tilespmem:v31+s15+$0x0], $0xffff  }
0x145: {  	v54 =	vand.u32 $0xF8, v52;
	v55 =	vor.u32 s29, v22  }
0x146: {  	v56 =	vshll.u32 v55, $0x6;
	v29 =	vor.u32 v54, v32  }
0x147: {  	v31 =	vor.u32 v27, v56;
	_ =	sdelay $0x1  }
0x148: {  	v28 =	vadd.f32 v28, v26;
	_ =	sdelay $0x1  }
0x149: {  	[tilespmem:v29+s18+$0x0] =	vst.idx.msk $0xffff, v28  }
0x14a: {  	v28 =	vld.idx.msk [tilespmem:v31+s15+$0x0], $0xffff  }
0x14b: {  	v57 =	vand.u32 $0xF8, v55;
	v58 =	vor.u32 s29, v23  }
0x14c: {  	v59 =	vshll.u32 v58, $0x6;
	v29 =	vor.u32 v57, v33  }
0x14d: {  	v31 =	vor.u32 v27, v59;
	_ =	sdelay $0x1  }
0x14e: {  	v28 =	vadd.f32 v28, v26;
	_ =	sdelay $0x1  }
0x14f: {  	[tilespmem:v29+s18+$0x0] =	vst.idx.msk $0xffff, v28  }
0x150: {  	v28 =	vld.idx.msk [tilespmem:v31+s15+$0x0], $0xffff  }
0x151: {  	v60 =	vand.u32 $0xF8, v58;
	v61 =	vor.u32 s29, v24  }
0x152: {  	v62 =	vshll.u32 v61, $0x6;
	v29 =	vor.u32 v60, v34  }
0x153: {  	v27 =	vor.u32 v27, v62;
	_ =	sdelay $0x1  }
0x154: {  	v28 =	vadd.f32 v28, v26;
	_ =	sdelay $0x1  }
0x155: {  	[tilespmem:v29+s18+$0x0] =	vst.idx.msk $0xffff, v28  }
0x156: {  	v27 =	vld.idx.msk [tilespmem:v27+s15+$0x0], $0xffff  }
0x157: {  	s28 =	sadd.s32 $0x1, s28;
	v63 =	vand.u32 $0xF8, v61  }
0x158: {  	p0 =	sne.s32 s28, $0x4;
	v28 =	vor.u32 v63, v35  }
.Ltmp1:
0x159: {  	_ = 	snop;
	(pc) =	sbr.rel @p0 .LBB2_3-.Ltmp1, $3  }
0x15a: {  	_ = 	snop  }
0x15b: {  	v26 =	vadd.f32 v27, v26;
	_ =	sdelay $0x1  }
0x15c: {  	[tilespmem:v28+s18+$0x0] =	vst.idx.msk $0xffff, v26  }
0x15d: {  	s26 =	sshll.u32 s24, $0x15  }
0x15e: {  	s26 =	sor.u32 s6, s26  }
0x15f: {  	s26 =	sshrl.u32 s26, $0x3  }
0x160: {  	p0 =	seq.s32 s24, $0x9;
	s26 =	sadd.s32 s5, s26  }
0x161: {  	[hbm4b:s26+s13] =	stream.strided.scatter [tilespmem:s18], [sflag:$0x3], $0x4000, s14, s13, $0x38;
	[tilespmem:$0x11C00] =	vst v63  }
0x162: {  	p1 =	seq.s32 @!p0 s24, $0x0;
	s26 =	sshll.u32 @!p0 s24, $0x9;
	_ =	swait.ge [sflag:s19], $0x4000  }
0x163: {  	s28 =	simm.s32 @!p0 $0x100;
	s26 =	sand.u32 @!p0 $0x3FFFFE00, s26;
	[sflag:s19] =	ssyncset.done $0x0  }
0x164: {  	s29 =	simm.s32 @!p0 $0x1400;
	s26 =	sadd.s32 @!p0 $0x200, s26;
	[sflag:s19] =	ssyncadd.s32 $0xFFFFC000  }
0x165: {  	[tilespmem:s29], [sflag:$0x1] =	stream.indirect.gather @!p0 [hbm4b:s3+s28], $0x40, s26, s28, $0xb8;
	[tilespmem:$0x11C00] =	vst v63  }
0x166: {  	p0 =	por p0, !p1  }
0x167: {  	_ =	swait.ge @p0 [sflag:s22], $0x4000  }
0x168: {  	s31 =	sshll.u32 s25, $0x6;
	[sflag:s22] =	ssyncset.done @p0 $0x0  }
0x169: {  	v25 =	vor.u32 s31, v1;
	s26 =	simm.s32 $0x0;
	s28 =	simm.s32 $0x0;
	[sflag:s22] =	ssyncadd.s32 @p0 $0xFFFFC000  }
.LBB2_7:
0x16a: {  	s29 =	sshll.u32 s28, $0x4  }
0x16b: {  	v28 =	vor.u32 s29, v0  }
0x16c: {  	v29 =	vor.u32 s26, v0;
	v26 =	vand.u32 $0x38, v28  }
0x16d: {  	v30 =	vshll.u32 v29, $0x6;
	v27 =	vand.u32 v2, v28;
	v26 =	vor.u32 v25, v26  }
0x16e: {  	v30 =	vor.u32 v27, v30;
	_ =	sdelay $0x3  }
0x16f: {  	v26 =	vld.idx.msk [tilespmem:v26+s11+$0x0], $0xffff  }
0x170: {  	v35 =	vshll.u32 v28, $0x8;
	v30 =	vld.idx.msk [tilespmem:v30+s17+$0x0], $0xffff  }
0x171: {  	v31 =	vor.u32 s26, v10;
	v29 =	vand.u32 $0xF8, v29;
	v28 =	vor.u32 v1, v35  }
0x172: {  	v32 =	vshll.u32 v31, $0x6;
	v29 =	vor.u32 v29, v28  }
0x173: {  	v32 =	vor.u32 v27, v32;
	_ =	sdelay $0x1  }
0x174: {  	v30 =	vadd.f32 v30, v26;
	_ =	sdelay $0x1  }
0x175: {  	[tilespmem:v29+s20+$0x0] =	vst.idx.msk $0xffff, v30  }
0x176: {  	v30 =	vld.idx.msk [tilespmem:v32+s17+$0x0], $0xffff  }
0x177: {  	v55 =	vor.u32 s26, v11;
	v31 =	vand.u32 $0xF8, v31;
	v29 =	vor.u32 v3, v35  }
0x178: {  	v33 =	vshll.u32 v55, $0x6;
	v31 =	vor.u32 v31, v29  }
0x179: {  	v33 =	vor.u32 v27, v33;
	_ =	sdelay $0x1  }
0x17a: {  	v30 =	vadd.f32 v30, v26;
	_ =	sdelay $0x1  }
0x17b: {  	[tilespmem:v31+s20+$0x0] =	vst.idx.msk $0xffff, v30  }
0x17c: {  	v31 =	vld.idx.msk [tilespmem:v33+s17+$0x0], $0xffff  }
0x17d: {  	v56 =	vor.u32 s26, v12;
	v32 =	vand.u32 $0xF8, v55;
	v30 =	vor.u32 v4, v35  }
0x17e: {  	v34 =	vshll.u32 v56, $0x6;
	v32 =	vor.u32 v32, v30  }
0x17f: {  	v34 =	vor.u32 v27, v34;
	_ =	sdelay $0x1  }
0x180: {  	v31 =	vadd.f32 v31, v26;
	_ =	sdelay $0x1  }
0x181: {  	[tilespmem:v32+s20+$0x0] =	vst.idx.msk $0xffff, v31  }
0x182: {  	v32 =	vld.idx.msk [tilespmem:v34+s17+$0x0], $0xffff  }
0x183: {  	v57 =	vor.u32 s26, v13;
	v33 =	vand.u32 $0xF8, v56;
	v31 =	vor.u32 v5, v35  }
0x184: {  	v36 =	vshll.u32 v57, $0x6;
	v33 =	vor.u32 v33, v31  }
0x185: {  	v36 =	vor.u32 v27, v36;
	_ =	sdelay $0x1  }
0x186: {  	v32 =	vadd.f32 v32, v26;
	_ =	sdelay $0x1  }
0x187: {  	[tilespmem:v33+s20+$0x0] =	vst.idx.msk $0xffff, v32  }
0x188: {  	v33 =	vld.idx.msk [tilespmem:v36+s17+$0x0], $0xffff  }
0x189: {  	v58 =	vor.u32 s26, v14;
	v34 =	vand.u32 $0xF8, v57;
	v32 =	vor.u32 v6, v35  }
0x18a: {  	v37 =	vshll.u32 v58, $0x6;
	v34 =	vor.u32 v34, v32  }
0x18b: {  	v37 =	vor.u32 v27, v37;
	_ =	sdelay $0x1  }
0x18c: {  	v33 =	vadd.f32 v33, v26;
	_ =	sdelay $0x1  }
0x18d: {  	[tilespmem:v34+s20+$0x0] =	vst.idx.msk $0xffff, v33  }
0x18e: {  	v34 =	vld.idx.msk [tilespmem:v37+s17+$0x0], $0xffff  }
0x18f: {  	v59 =	vor.u32 s26, v16;
	v36 =	vand.u32 $0xF8, v58;
	v33 =	vor.u32 v7, v35  }
0x190: {  	v38 =	vshll.u32 v59, $0x6;
	v36 =	vor.u32 v36, v33  }
0x191: {  	v38 =	vor.u32 v27, v38;
	_ =	sdelay $0x1  }
0x192: {  	v34 =	vadd.f32 v34, v26;
	_ =	sdelay $0x1  }
0x193: {  	[tilespmem:v36+s20+$0x0] =	vst.idx.msk $0xffff, v34  }
0x194: {  	v36 =	vld.idx.msk [tilespmem:v38+s17+$0x0], $0xffff  }
0x195: {  	v60 =	vor.u32 s26, v17;
	v37 =	vand.u32 $0xF8, v59;
	v34 =	vor.u32 v8, v35  }
0x196: {  	v39 =	vshll.u32 v60, $0x6;
	v37 =	vor.u32 v37, v34  }
0x197: {  	v39 =	vor.u32 v27, v39;
	_ =	sdelay $0x1  }
0x198: {  	v36 =	vadd.f32 v36, v26;
	_ =	sdelay $0x1  }
0x199: {  	[tilespmem:v37+s20+$0x0] =	vst.idx.msk $0xffff, v36  }
0x19a: {  	v36 =	vld.idx.msk [tilespmem:v39+s17+$0x0], $0xffff  }
0x19b: {  	v62 =	vor.u32 s26, v15;
	v61 =	vand.u32 $0xF8, v60;
	v35 =	vor.u32 v9, v35  }
0x19c: {  	v63 =	vshll.u32 v62, $0x6;
	v37 =	vor.u32 v61, v35  }
0x19d: {  	v39 =	vor.u32 v27, v63;
	_ =	sdelay $0x1  }
0x19e: {  	v36 =	vadd.f32 v36, v26;
	_ =	sdelay $0x1  }
0x19f: {  	[tilespmem:v37+s20+$0x0] =	vst.idx.msk $0xffff, v36  }
0x1a0: {  	v36 =	vld.idx.msk [tilespmem:v39+s17+$0x0], $0xffff  }
0x1a1: {  	v42 =	vor.u32 s26, v18;
	v41 =	vand.u32 $0xF8, v62  }
0x1a2: {  	v43 =	vshll.u32 v42, $0x6;
	v37 =	vor.u32 v41, v28  }
0x1a3: {  	v39 =	vor.u32 v27, v43;
	_ =	sdelay $0x1  }
0x1a4: {  	v36 =	vadd.f32 v36, v26;
	_ =	sdelay $0x1  }
0x1a5: {  	[tilespmem:v37+s20+$0x0] =	vst.idx.msk $0xffff, v36  }
0x1a6: {  	v36 =	vld.idx.msk [tilespmem:v39+s17+$0x0], $0xffff  }
0x1a7: {  	v45 =	vor.u32 s26, v19;
	v44 =	vand.u32 $0xF8, v42  }
0x1a8: {  	v46 =	vshll.u32 v45, $0x6;
	v37 =	vor.u32 v44, v29  }
0x1a9: {  	v39 =	vor.u32 v27, v46;
	_ =	sdelay $0x1  }
0x1aa: {  	v36 =	vadd.f32 v36, v26;
	_ =	sdelay $0x1  }
0x1ab: {  	[tilespmem:v37+s20+$0x0] =	vst.idx.msk $0xffff, v36  }
0x1ac: {  	v36 =	vld.idx.msk [tilespmem:v39+s17+$0x0], $0xffff  }
0x1ad: {  	v48 =	vor.u32 s26, v20;
	v47 =	vand.u32 $0xF8, v45  }
0x1ae: {  	v49 =	vshll.u32 v48, $0x6;
	v37 =	vor.u32 v47, v30  }
0x1af: {  	v39 =	vor.u32 v27, v49;
	_ =	sdelay $0x1  }
0x1b0: {  	v36 =	vadd.f32 v36, v26;
	_ =	sdelay $0x1  }
0x1b1: {  	[tilespmem:v37+s20+$0x0] =	vst.idx.msk $0xffff, v36  }
0x1b2: {  	v36 =	vld.idx.msk [tilespmem:v39+s17+$0x0], $0xffff  }
0x1b3: {  	v51 =	vor.u32 s26, v21;
	v50 =	vand.u32 $0xF8, v48  }
0x1b4: {  	v52 =	vshll.u32 v51, $0x6;
	v37 =	vor.u32 v50, v31  }
0x1b5: {  	v39 =	vor.u32 v27, v52;
	_ =	sdelay $0x1  }
0x1b6: {  	v36 =	vadd.f32 v36, v26;
	_ =	sdelay $0x1  }
0x1b7: {  	[tilespmem:v37+s20+$0x0] =	vst.idx.msk $0xffff, v36  }
0x1b8: {  	v36 =	vld.idx.msk [tilespmem:v39+s17+$0x0], $0xffff  }
0x1b9: {  	v54 =	vor.u32 s26, v22;
	v53 =	vand.u32 $0xF8, v51  }
0x1ba: {  	v55 =	vshll.u32 v54, $0x6;
	v37 =	vor.u32 v53, v32  }
0x1bb: {  	v39 =	vor.u32 v27, v55;
	_ =	sdelay $0x1  }
0x1bc: {  	v36 =	vadd.f32 v36, v26;
	_ =	sdelay $0x1  }
0x1bd: {  	[tilespmem:v37+s20+$0x0] =	vst.idx.msk $0xffff, v36  }
0x1be: {  	v36 =	vld.idx.msk [tilespmem:v39+s17+$0x0], $0xffff  }
0x1bf: {  	v56 =	vand.u32 $0xF8, v54;
	v57 =	vor.u32 s26, v23  }
0x1c0: {  	v58 =	vshll.u32 v57, $0x6;
	v37 =	vor.u32 v56, v33  }
0x1c1: {  	v39 =	vor.u32 v27, v58;
	_ =	sdelay $0x1  }
0x1c2: {  	v36 =	vadd.f32 v36, v26;
	_ =	sdelay $0x1  }
0x1c3: {  	[tilespmem:v37+s20+$0x0] =	vst.idx.msk $0xffff, v36  }
0x1c4: {  	v36 =	vld.idx.msk [tilespmem:v39+s17+$0x0], $0xffff  }
0x1c5: {  	v60 =	vor.u32 s26, v24;
	v59 =	vand.u32 $0xF8, v57  }
0x1c6: {  	v61 =	vshll.u32 v60, $0x6;
	v37 =	vor.u32 v59, v34  }
0x1c7: {  	v39 =	vor.u32 v27, v61;
	_ =	sdelay $0x1  }
0x1c8: {  	v36 =	vadd.f32 v36, v26;
	_ =	sdelay $0x1  }
0x1c9: {  	[tilespmem:v37+s20+$0x0] =	vst.idx.msk $0xffff, v36  }
0x1ca: {  	s29 =	simm.s32 $0x10;
	v39 =	vld.idx.msk [tilespmem:v39+s17+$0x0], $0xffff  }
0x1cb: {  	v62 =	vor.u32 s29, v0;
	v63 =	vand.u32 $0xF8, v60  }
0x1cc: {  	v40 =	vshll.u32 v62, $0x6;
	v38 =	vor.u32 v63, v35  }
0x1cd: {  	v37 =	vor.u32 v27, v40;
	_ =	sdelay $0x1  }
0x1ce: {  	s30 =	simm.s32 $0x20;
	v36 =	vand.u32 $0xF8, v62;
	v39 =	vadd.f32 v39, v26  }
.LBB2_8:
0x1cf: {  	_ = 	snop  }
0x1d0: {  	p0 =	sne.s32 s30, $0xF0;
	s31 =	smov.u32 s30;
	s30 =	sadd.s32 $0x10, s30;
	[tilespmem:v38+s20+$0x0] =	vst.idx.msk $0xffff, v39  }
0x1d1: {  	v37 =	vld.idx.msk [tilespmem:v37+s17+$0x0], $0xffff;
	_ =	sdelay $0x1  }
0x1d2: {  	v38 =	vor.u32 s29, v10  }
0x1d3: {  	v36 =	vor.u32 v36, v28;
	v39 =	vshll.u32 v38, $0x6;
	v38 =	vand.u32 $0xF8, v38  }
0x1d4: {  	v39 =	vor.u32 v27, v39;
	_ =	sdelay $0x1  }
0x1d5: {  	v37 =	vadd.f32 v37, v26;
	_ =	sdelay $0x1  }
0x1d6: {  	[tilespmem:v36+s20+$0x0] =	vst.idx.msk $0xffff, v37  }
0x1d7: {  	v36 =	vld.idx.msk [tilespmem:v39+s17+$0x0], $0xffff;
	_ =	sdelay $0x1  }
0x1d8: {  	v37 =	vor.u32 s29, v11  }
0x1d9: {  	v38 =	vor.u32 v38, v29;
	v39 =	vshll.u32 v37, $0x6;
	v37 =	vand.u32 $0xF8, v37  }
0x1da: {  	v39 =	vor.u32 v27, v39;
	_ =	sdelay $0x1  }
0x1db: {  	v36 =	vadd.f32 v36, v26;
	_ =	sdelay $0x1  }
0x1dc: {  	[tilespmem:v38+s20+$0x0] =	vst.idx.msk $0xffff, v36  }
0x1dd: {  	v36 =	vld.idx.msk [tilespmem:v39+s17+$0x0], $0xffff;
	_ =	sdelay $0x1  }
0x1de: {  	v38 =	vor.u32 s29, v12  }
0x1df: {  	v37 =	vor.u32 v37, v30;
	v39 =	vshll.u32 v38, $0x6;
	v38 =	vand.u32 $0xF8, v38  }
0x1e0: {  	v39 =	vor.u32 v27, v39;
	_ =	sdelay $0x1  }
0x1e1: {  	v36 =	vadd.f32 v36, v26;
	_ =	sdelay $0x1  }
0x1e2: {  	[tilespmem:v37+s20+$0x0] =	vst.idx.msk $0xffff, v36  }
0x1e3: {  	v36 =	vld.idx.msk [tilespmem:v39+s17+$0x0], $0xffff;
	_ =	sdelay $0x1  }
0x1e4: {  	v37 =	vor.u32 s29, v13  }
0x1e5: {  	v38 =	vor.u32 v38, v31;
	v39 =	vshll.u32 v37, $0x6;
	v37 =	vand.u32 $0xF8, v37  }
0x1e6: {  	v39 =	vor.u32 v27, v39;
	_ =	sdelay $0x1  }
0x1e7: {  	v36 =	vadd.f32 v36, v26;
	_ =	sdelay $0x1  }
0x1e8: {  	[tilespmem:v38+s20+$0x0] =	vst.idx.msk $0xffff, v36  }
0x1e9: {  	v36 =	vld.idx.msk [tilespmem:v39+s17+$0x0], $0xffff;
	_ =	sdelay $0x1  }
0x1ea: {  	v38 =	vor.u32 s29, v14  }
0x1eb: {  	v37 =	vor.u32 v37, v32;
	v39 =	vshll.u32 v38, $0x6;
	v38 =	vand.u32 $0xF8, v38  }
0x1ec: {  	v39 =	vor.u32 v27, v39;
	_ =	sdelay $0x1  }
0x1ed: {  	v36 =	vadd.f32 v36, v26;
	_ =	sdelay $0x1  }
0x1ee: {  	[tilespmem:v37+s20+$0x0] =	vst.idx.msk $0xffff, v36  }
0x1ef: {  	v36 =	vld.idx.msk [tilespmem:v39+s17+$0x0], $0xffff;
	_ =	sdelay $0x1  }
0x1f0: {  	v37 =	vor.u32 s29, v16  }
0x1f1: {  	v38 =	vor.u32 v38, v33;
	v39 =	vshll.u32 v37, $0x6;
	v37 =	vand.u32 $0xF8, v37  }
0x1f2: {  	v39 =	vor.u32 v27, v39;
	_ =	sdelay $0x1  }
0x1f3: {  	v36 =	vadd.f32 v36, v26;
	_ =	sdelay $0x1  }
0x1f4: {  	[tilespmem:v38+s20+$0x0] =	vst.idx.msk $0xffff, v36  }
0x1f5: {  	v36 =	vld.idx.msk [tilespmem:v39+s17+$0x0], $0xffff;
	_ =	sdelay $0x1  }
0x1f6: {  	v38 =	vor.u32 s29, v17  }
0x1f7: {  	v37 =	vor.u32 v37, v34;
	v39 =	vshll.u32 v38, $0x6;
	v38 =	vand.u32 $0xF8, v38  }
0x1f8: {  	v39 =	vor.u32 v27, v39;
	_ =	sdelay $0x1  }
0x1f9: {  	v36 =	vadd.f32 v36, v26;
	_ =	sdelay $0x1  }
0x1fa: {  	[tilespmem:v37+s20+$0x0] =	vst.idx.msk $0xffff, v36  }
0x1fb: {  	v36 =	vld.idx.msk [tilespmem:v39+s17+$0x0], $0xffff;
	_ =	sdelay $0x1  }
0x1fc: {  	v37 =	vor.u32 s29, v15  }
0x1fd: {  	v38 =	vor.u32 v38, v35;
	v39 =	vshll.u32 v37, $0x6;
	v37 =	vand.u32 $0xF8, v37  }
0x1fe: {  	v39 =	vor.u32 v27, v39;
	_ =	sdelay $0x1  }
0x1ff: {  	v36 =	vadd.f32 v36, v26;
	_ =	sdelay $0x1  }
0x200: {  	[tilespmem:v38+s20+$0x0] =	vst.idx.msk $0xffff, v36  }
0x201: {  	v36 =	vld.idx.msk [tilespmem:v39+s17+$0x0], $0xffff;
	_ =	sdelay $0x1  }
0x202: {  	v38 =	vor.u32 s29, v18  }
0x203: {  	v37 =	vor.u32 v37, v28;
	v39 =	vshll.u32 v38, $0x6;
	v38 =	vand.u32 $0xF8, v38  }
0x204: {  	v39 =	vor.u32 v27, v39;
	_ =	sdelay $0x1  }
0x205: {  	v36 =	vadd.f32 v36, v26;
	_ =	sdelay $0x1  }
0x206: {  	[tilespmem:v37+s20+$0x0] =	vst.idx.msk $0xffff, v36  }
0x207: {  	v36 =	vld.idx.msk [tilespmem:v39+s17+$0x0], $0xffff;
	_ =	sdelay $0x1  }
0x208: {  	v37 =	vor.u32 s29, v19  }
0x209: {  	v38 =	vor.u32 v38, v29;
	v39 =	vshll.u32 v37, $0x6;
	v37 =	vand.u32 $0xF8, v37  }
0x20a: {  	v39 =	vor.u32 v27, v39;
	_ =	sdelay $0x1  }
0x20b: {  	v36 =	vadd.f32 v36, v26;
	_ =	sdelay $0x1  }
0x20c: {  	[tilespmem:v38+s20+$0x0] =	vst.idx.msk $0xffff, v36  }
0x20d: {  	v36 =	vld.idx.msk [tilespmem:v39+s17+$0x0], $0xffff;
	_ =	sdelay $0x1  }
0x20e: {  	v38 =	vor.u32 s29, v20  }
0x20f: {  	v37 =	vor.u32 v37, v30;
	v39 =	vshll.u32 v38, $0x6;
	v38 =	vand.u32 $0xF8, v38  }
0x210: {  	v39 =	vor.u32 v27, v39;
	_ =	sdelay $0x1  }
0x211: {  	v36 =	vadd.f32 v36, v26;
	_ =	sdelay $0x1  }
0x212: {  	[tilespmem:v37+s20+$0x0] =	vst.idx.msk $0xffff, v36  }
0x213: {  	v36 =	vld.idx.msk [tilespmem:v39+s17+$0x0], $0xffff;
	_ =	sdelay $0x1  }
0x214: {  	v37 =	vor.u32 s29, v21  }
0x215: {  	v38 =	vor.u32 v38, v31;
	v39 =	vshll.u32 v37, $0x6;
	v37 =	vand.u32 $0xF8, v37  }
0x216: {  	v39 =	vor.u32 v27, v39;
	_ =	sdelay $0x1  }
0x217: {  	v36 =	vadd.f32 v36, v26;
	_ =	sdelay $0x1  }
0x218: {  	[tilespmem:v38+s20+$0x0] =	vst.idx.msk $0xffff, v36  }
0x219: {  	v36 =	vld.idx.msk [tilespmem:v39+s17+$0x0], $0xffff;
	_ =	sdelay $0x1  }
0x21a: {  	v38 =	vor.u32 s29, v22  }
0x21b: {  	v37 =	vor.u32 v37, v32;
	v39 =	vshll.u32 v38, $0x6;
	v38 =	vand.u32 $0xF8, v38  }
0x21c: {  	v39 =	vor.u32 v27, v39;
	_ =	sdelay $0x1  }
0x21d: {  	v36 =	vadd.f32 v36, v26;
	_ =	sdelay $0x1  }
0x21e: {  	[tilespmem:v37+s20+$0x0] =	vst.idx.msk $0xffff, v36  }
0x21f: {  	v36 =	vld.idx.msk [tilespmem:v39+s17+$0x0], $0xffff;
	_ =	sdelay $0x1  }
0x220: {  	v37 =	vor.u32 s29, v23  }
0x221: {  	v38 =	vor.u32 v38, v33;
	v39 =	vshll.u32 v37, $0x6;
	v37 =	vand.u32 $0xF8, v37  }
0x222: {  	v39 =	vor.u32 v27, v39;
	_ =	sdelay $0x1  }
0x223: {  	v36 =	vadd.f32 v36, v26;
	_ =	sdelay $0x1  }
0x224: {  	[tilespmem:v38+s20+$0x0] =	vst.idx.msk $0xffff, v36  }
0x225: {  	v36 =	vld.idx.msk [tilespmem:v39+s17+$0x0], $0xffff;
	_ =	sdelay $0x1  }
0x226: {  	v38 =	vor.u32 s29, v24;
	s29 =	smov.u32 s31  }
0x227: {  	v37 =	vor.u32 v37, v34;
	v39 =	vshll.u32 v38, $0x6;
	v38 =	vand.u32 $0xF8, v38  }
0x228: {  	v39 =	vor.u32 v27, v39;
	_ =	sdelay $0x1  }
0x229: {  	v36 =	vadd.f32 v36, v26;
	_ =	sdelay $0x1  }
0x22a: {  	[tilespmem:v37+s20+$0x0] =	vst.idx.msk $0xffff, v36  }
0x22b: {  	v39 =	vld.idx.msk [tilespmem:v39+s17+$0x0], $0xffff;
	_ =	sdelay $0x1  }
.Ltmp2:
0x22c: {  	v36 =	vor.u32 s29, v0;
	(pc) =	sbr.rel @p0 .LBB2_8-.Ltmp2, $3  }
0x22d: {  	v38 =	vor.u32 v38, v35;
	v37 =	vshll.u32 v36, $0x6;
	v36 =	vand.u32 $0xF8, v36  }
0x22e: {  	v37 =	vor.u32 v27, v37;
	_ =	sdelay $0x1  }
0x22f: {  	v39 =	vadd.f32 v39, v26  }
0x230: {  	_ =	sdelay $0x3  }
0x231: {  	[tilespmem:v38+s20+$0x0] =	vst.idx.msk $0xffff, v39  }
0x232: {  	v37 =	vld.idx.msk [tilespmem:v37+s17+$0x0], $0xffff  }
0x233: {  	v63 =	vor.u32 s29, v10  }
0x234: {  	v36 =	vor.u32 v36, v28;
	v42 =	vshll.u32 v63, $0x6  }
0x235: {  	v39 =	vor.u32 v27, v42;
	_ =	sdelay $0x1  }
0x236: {  	v37 =	vadd.f32 v37, v26;
	_ =	sdelay $0x1  }
0x237: {  	[tilespmem:v36+s20+$0x0] =	vst.idx.msk $0xffff, v37  }
0x238: {  	v36 =	vld.idx.msk [tilespmem:v39+s17+$0x0], $0xffff  }
0x239: {  	v44 =	vor.u32 s29, v11;
	v43 =	vand.u32 $0xF8, v63  }
0x23a: {  	v45 =	vshll.u32 v44, $0x6;
	v37 =	vor.u32 v43, v29  }
0x23b: {  	v39 =	vor.u32 v27, v45;
	_ =	sdelay $0x1  }
0x23c: {  	v36 =	vadd.f32 v36, v26;
	_ =	sdelay $0x1  }
0x23d: {  	[tilespmem:v37+s20+$0x0] =	vst.idx.msk $0xffff, v36  }
0x23e: {  	v36 =	vld.idx.msk [tilespmem:v39+s17+$0x0], $0xffff  }
0x23f: {  	v47 =	vor.u32 s29, v12;
	v46 =	vand.u32 $0xF8, v44  }
0x240: {  	v48 =	vshll.u32 v47, $0x6;
	v37 =	vor.u32 v46, v30  }
0x241: {  	v39 =	vor.u32 v27, v48;
	_ =	sdelay $0x1  }
0x242: {  	v36 =	vadd.f32 v36, v26;
	_ =	sdelay $0x1  }
0x243: {  	[tilespmem:v37+s20+$0x0] =	vst.idx.msk $0xffff, v36  }
0x244: {  	v36 =	vld.idx.msk [tilespmem:v39+s17+$0x0], $0xffff  }
0x245: {  	v50 =	vor.u32 s29, v13;
	v49 =	vand.u32 $0xF8, v47  }
0x246: {  	v51 =	vshll.u32 v50, $0x6;
	v37 =	vor.u32 v49, v31  }
0x247: {  	v39 =	vor.u32 v27, v51;
	_ =	sdelay $0x1  }
0x248: {  	v36 =	vadd.f32 v36, v26;
	_ =	sdelay $0x1  }
0x249: {  	[tilespmem:v37+s20+$0x0] =	vst.idx.msk $0xffff, v36  }
0x24a: {  	v36 =	vld.idx.msk [tilespmem:v39+s17+$0x0], $0xffff  }
0x24b: {  	v53 =	vor.u32 s29, v14;
	v52 =	vand.u32 $0xF8, v50  }
0x24c: {  	v54 =	vshll.u32 v53, $0x6;
	v37 =	vor.u32 v52, v32  }
0x24d: {  	v39 =	vor.u32 v27, v54;
	_ =	sdelay $0x1  }
0x24e: {  	v36 =	vadd.f32 v36, v26;
	_ =	sdelay $0x1  }
0x24f: {  	[tilespmem:v37+s20+$0x0] =	vst.idx.msk $0xffff, v36  }
0x250: {  	v36 =	vld.idx.msk [tilespmem:v39+s17+$0x0], $0xffff  }
0x251: {  	v56 =	vor.u32 s29, v16;
	v55 =	vand.u32 $0xF8, v53  }
0x252: {  	v57 =	vshll.u32 v56, $0x6;
	v37 =	vor.u32 v55, v33  }
0x253: {  	v39 =	vor.u32 v27, v57;
	_ =	sdelay $0x1  }
0x254: {  	v36 =	vadd.f32 v36, v26;
	_ =	sdelay $0x1  }
0x255: {  	[tilespmem:v37+s20+$0x0] =	vst.idx.msk $0xffff, v36  }
0x256: {  	v36 =	vld.idx.msk [tilespmem:v39+s17+$0x0], $0xffff  }
0x257: {  	v59 =	vor.u32 s29, v17;
	v58 =	vand.u32 $0xF8, v56  }
0x258: {  	v60 =	vshll.u32 v59, $0x6;
	v37 =	vor.u32 v58, v34  }
0x259: {  	v39 =	vor.u32 v27, v60;
	_ =	sdelay $0x1  }
0x25a: {  	v36 =	vadd.f32 v36, v26;
	_ =	sdelay $0x1  }
0x25b: {  	[tilespmem:v37+s20+$0x0] =	vst.idx.msk $0xffff, v36  }
0x25c: {  	v36 =	vld.idx.msk [tilespmem:v39+s17+$0x0], $0xffff  }
0x25d: {  	v62 =	vor.u32 s29, v15;
	v61 =	vand.u32 $0xF8, v59  }
0x25e: {  	v63 =	vshll.u32 v62, $0x6;
	v37 =	vor.u32 v61, v35  }
0x25f: {  	v39 =	vor.u32 v27, v63;
	_ =	sdelay $0x1  }
0x260: {  	v36 =	vadd.f32 v36, v26;
	_ =	sdelay $0x1  }
0x261: {  	[tilespmem:v37+s20+$0x0] =	vst.idx.msk $0xffff, v36  }
0x262: {  	v36 =	vld.idx.msk [tilespmem:v39+s17+$0x0], $0xffff  }
0x263: {  	v41 =	vor.u32 s29, v18;
	v40 =	vand.u32 $0xF8, v62  }
0x264: {  	v42 =	vor.u32 v40, v28;
	v43 =	vshll.u32 v41, $0x6  }
0x265: {  	v37 =	vor.u32 v27, v43;
	_ =	sdelay $0x1  }
0x266: {  	v36 =	vadd.f32 v36, v26;
	_ =	sdelay $0x1  }
0x267: {  	[tilespmem:v42+s20+$0x0] =	vst.idx.msk $0xffff, v36  }
0x268: {  	v28 =	vld.idx.msk [tilespmem:v37+s17+$0x0], $0xffff  }
0x269: {  	v44 =	vand.u32 $0xF8, v41;
	v45 =	vor.u32 s29, v19  }
0x26a: {  	v47 =	vshll.u32 v45, $0x6;
	v46 =	vor.u32 v44, v29  }
0x26b: {  	v36 =	vor.u32 v27, v47;
	_ =	sdelay $0x1  }
0x26c: {  	v28 =	vadd.f32 v28, v26;
	_ =	sdelay $0x1  }
0x26d: {  	[tilespmem:v46+s20+$0x0] =	vst.idx.msk $0xffff, v28  }
0x26e: {  	v28 =	vld.idx.msk [tilespmem:v36+s17+$0x0], $0xffff  }
0x26f: {  	v48 =	vand.u32 $0xF8, v45;
	v49 =	vor.u32 s29, v20  }
0x270: {  	v29 =	vor.u32 v48, v30;
	v50 =	vshll.u32 v49, $0x6  }
0x271: {  	v30 =	vor.u32 v27, v50;
	_ =	sdelay $0x1  }
0x272: {  	v28 =	vadd.f32 v28, v26;
	_ =	sdelay $0x1  }
0x273: {  	[tilespmem:v29+s20+$0x0] =	vst.idx.msk $0xffff, v28  }
0x274: {  	v28 =	vld.idx.msk [tilespmem:v30+s17+$0x0], $0xffff  }
0x275: {  	v51 =	vand.u32 $0xF8, v49;
	v52 =	vor.u32 s29, v21  }
0x276: {  	v53 =	vshll.u32 v52, $0x6;
	v29 =	vor.u32 v51, v31  }
0x277: {  	v31 =	vor.u32 v27, v53;
	_ =	sdelay $0x1  }
0x278: {  	v28 =	vadd.f32 v28, v26;
	_ =	sdelay $0x1  }
0x279: {  	[tilespmem:v29+s20+$0x0] =	vst.idx.msk $0xffff, v28  }
0x27a: {  	v28 =	vld.idx.msk [tilespmem:v31+s17+$0x0], $0xffff  }
0x27b: {  	v54 =	vand.u32 $0xF8, v52;
	v55 =	vor.u32 s29, v22  }
0x27c: {  	v56 =	vshll.u32 v55, $0x6;
	v29 =	vor.u32 v54, v32  }
0x27d: {  	v31 =	vor.u32 v27, v56;
	_ =	sdelay $0x1  }
0x27e: {  	v28 =	vadd.f32 v28, v26;
	_ =	sdelay $0x1  }
0x27f: {  	[tilespmem:v29+s20+$0x0] =	vst.idx.msk $0xffff, v28  }
0x280: {  	v28 =	vld.idx.msk [tilespmem:v31+s17+$0x0], $0xffff  }
0x281: {  	v57 =	vand.u32 $0xF8, v55;
	v58 =	vor.u32 s29, v23  }
0x282: {  	v59 =	vshll.u32 v58, $0x6;
	v29 =	vor.u32 v57, v33  }
0x283: {  	v31 =	vor.u32 v27, v59;
	_ =	sdelay $0x1  }
0x284: {  	v28 =	vadd.f32 v28, v26;
	_ =	sdelay $0x1  }
0x285: {  	[tilespmem:v29+s20+$0x0] =	vst.idx.msk $0xffff, v28  }
0x286: {  	v28 =	vld.idx.msk [tilespmem:v31+s17+$0x0], $0xffff  }
0x287: {  	v60 =	vand.u32 $0xF8, v58;
	v61 =	vor.u32 s29, v24  }
0x288: {  	v62 =	vshll.u32 v61, $0x6;
	v29 =	vor.u32 v60, v34  }
0x289: {  	v27 =	vor.u32 v27, v62;
	_ =	sdelay $0x1  }
0x28a: {  	v28 =	vadd.f32 v28, v26;
	_ =	sdelay $0x1  }
0x28b: {  	[tilespmem:v29+s20+$0x0] =	vst.idx.msk $0xffff, v28  }
0x28c: {  	v27 =	vld.idx.msk [tilespmem:v27+s17+$0x0], $0xffff  }
0x28d: {  	s28 =	sadd.s32 $0x1, s28;
	v63 =	vand.u32 $0xF8, v61  }
0x28e: {  	p0 =	sne.s32 s28, $0x4;
	v28 =	vor.u32 v63, v35  }
.Ltmp3:
0x28f: {  	_ = 	snop;
	(pc) =	sbr.rel @p0 .LBB2_7-.Ltmp3, $3  }
0x290: {  	_ = 	snop  }
0x291: {  	v26 =	vadd.f32 v27, v26;
	_ =	sdelay $0x1  }
0x292: {  	[tilespmem:v28+s20+$0x0] =	vst.idx.msk $0xffff, v26  }
0x293: {  	s24 =	sadd.s32 $0x1, s24  }
0x294: {  	p0 =	sne.s32 s24, $0xA  }
.Ltmp4:
0x295: {  	s25 =	sshll.u32 s25, $0x14;
	(pc) =	sbr.rel @p0 .LBB2_2-.Ltmp4, $4  }
0x296: {  	s25 =	sor.u32 s6, s25  }
0x297: {  	s25 =	sshrl.u32 s25, $0x3  }
0x298: {  	s25 =	sadd.s32 s5, s25  }
0x299: {  	[hbm4b:s25+s13] =	stream.strided.scatter [tilespmem:s20], [sflag:$0x4], $0x4000, s14, s13, $0x38;
	[tilespmem:$0x11C00] =	vst v63  }
0x29a: {  	_ =	swait.ge [sflag:s21], $0x4000  }
0x29b: {  	[sflag:s21] =	ssyncset.done $0x0  }
0x29c: {  	[sflag:s21] =	ssyncadd.s32 $0xFFFFC000  }
0x29d: {  	_ =	swait.ge [sflag:s22], $0x4000  }
0x29e: {  	[sflag:s22] =	ssyncset.done $0x0  }
0x29f: {  	s24 =	simm.s32 $0x0;
	[sflag:s22] =	ssyncadd.s32 $0xFFFFC000  }
0x2a0: {  	[tilespmem:s24], [sflag:$0x5] =	stream.strided.gather [hbm4b:s9+s13], $0x1400, s14, s13, $0x38;
	[tilespmem:$0x11C00] =	vst v63  }
0x2a1: {  	_ =	swait.ge [sflag:s12], $0x1400  }
0x2a2: {  	[sflag:s12] =	ssyncset.done $0x0  }
0x2a3: {  	[sflag:s12] =	ssyncadd.s32 $0xFFFFEC00  }
0x2a4: {  	[tilespmem:s15], [sflag:$0x1] =	stream.indirect.gather [hbm4b:s3+s13], $0x40, s24, s13, $0xb8;
	[tilespmem:$0x11C00] =	vst v63  }
.LBB2_12:
0x2a5: {  	_ =	swait.ge [sflag:s16], $0x4000;
	s25 =	sshllo.u32 s24, $0x1  }
0x2a6: {  	[sflag:s16] =	ssyncset.done $0x0;
	s26 =	sshll.u32 s25, $0x8  }
0x2a7: {  	p0 =	seq.s32 s24, $0x0;
	[sflag:s16] =	ssyncadd.s32 $0xFFFFC000;
	s26 =	sand.u32 $0x3FFFFF00, s26  }
0x2a8: {  	[tilespmem:s17], [sflag:$0x2] =	stream.indirect.gather [hbm4b:s3+s13], $0x40, s26, s13, $0xb8;
	[tilespmem:$0x11C00] =	vst v63  }
0x2a9: {  	s26 =	simm.s32 @!p0 $0x3  }
0x2aa: {  	s28 =	sshll.u32 s24, $0x1;
	_ =	swait.ge @!p0 [sflag:s26], $0x4000  }
0x2ab: {  	s28 =	sshll.u32 s28, $0x6;
	[sflag:s26] =	ssyncset.done @!p0 $0x0  }
0x2ac: {  	v25 =	vor.u32 s28, v1;
	[sflag:s26] =	ssyncadd.s32 @!p0 $0xFFFFC000;
	s26 =	simm.s32 $0x0  }
.LBB2_13:
0x2ad: {  	s28 =	sshll.u32 s26, $0x4  }
0x2ae: {  	v28 =	vor.u32 s28, v0;
	s28 =	simm.s32 $0x0  }
0x2af: {  	v26 =	vand.u32 $0x38, v28;
	v29 =	vor.u32 s28, v0  }
0x2b0: {  	v27 =	vand.u32 v2, v28;
	v26 =	vor.u32 v25, v26;
	v30 =	vshll.u32 v29, $0x6  }
0x2b1: {  	v30 =	vor.u32 v27, v30;
	_ =	sdelay $0x3  }
0x2b2: {  	v26 =	vld.idx.msk [tilespmem:v26+s11+$0x0], $0xffff  }
0x2b3: {  	v35 =	vshll.u32 v28, $0x8;
	v30 =	vld.idx.msk [tilespmem:v30+s15+$0x0], $0xffff  }
0x2b4: {  	v31 =	vor.u32 s28, v10;
	v28 =	vor.u32 v1, v35;
	v29 =	vand.u32 $0xF8, v29  }
0x2b5: {  	v32 =	vshll.u32 v31, $0x6;
	v29 =	vor.u32 v29, v28  }
0x2b6: {  	v32 =	vor.u32 v27, v32;
	_ =	sdelay $0x1  }
0x2b7: {  	v30 =	vadd.f32 v30, v26;
	_ =	sdelay $0x1  }
0x2b8: {  	[tilespmem:v29+s18+$0x0] =	vst.idx.msk $0xffff, v30  }
0x2b9: {  	v30 =	vld.idx.msk [tilespmem:v32+s15+$0x0], $0xffff  }
0x2ba: {  	v55 =	vor.u32 s28, v11;
	v31 =	vand.u32 $0xF8, v31;
	v29 =	vor.u32 v3, v35  }
0x2bb: {  	v33 =	vshll.u32 v55, $0x6;
	v31 =	vor.u32 v31, v29  }
0x2bc: {  	v33 =	vor.u32 v27, v33;
	_ =	sdelay $0x1  }
0x2bd: {  	v30 =	vadd.f32 v30, v26;
	_ =	sdelay $0x1  }
0x2be: {  	[tilespmem:v31+s18+$0x0] =	vst.idx.msk $0xffff, v30  }
0x2bf: {  	v31 =	vld.idx.msk [tilespmem:v33+s15+$0x0], $0xffff  }
0x2c0: {  	v56 =	vor.u32 s28, v12;
	v32 =	vand.u32 $0xF8, v55;
	v30 =	vor.u32 v4, v35  }
0x2c1: {  	v34 =	vshll.u32 v56, $0x6;
	v32 =	vor.u32 v32, v30  }
0x2c2: {  	v34 =	vor.u32 v27, v34;
	_ =	sdelay $0x1  }
0x2c3: {  	v31 =	vadd.f32 v31, v26;
	_ =	sdelay $0x1  }
0x2c4: {  	[tilespmem:v32+s18+$0x0] =	vst.idx.msk $0xffff, v31  }
0x2c5: {  	v32 =	vld.idx.msk [tilespmem:v34+s15+$0x0], $0xffff  }
0x2c6: {  	v57 =	vor.u32 s28, v13;
	v33 =	vand.u32 $0xF8, v56;
	v31 =	vor.u32 v5, v35  }
0x2c7: {  	v36 =	vshll.u32 v57, $0x6;
	v33 =	vor.u32 v33, v31  }
0x2c8: {  	v36 =	vor.u32 v27, v36;
	_ =	sdelay $0x1  }
0x2c9: {  	v32 =	vadd.f32 v32, v26;
	_ =	sdelay $0x1  }
0x2ca: {  	[tilespmem:v33+s18+$0x0] =	vst.idx.msk $0xffff, v32  }
0x2cb: {  	v33 =	vld.idx.msk [tilespmem:v36+s15+$0x0], $0xffff  }
0x2cc: {  	v58 =	vor.u32 s28, v14;
	v34 =	vand.u32 $0xF8, v57;
	v32 =	vor.u32 v6, v35  }
0x2cd: {  	v37 =	vshll.u32 v58, $0x6;
	v34 =	vor.u32 v34, v32  }
0x2ce: {  	v37 =	vor.u32 v27, v37;
	_ =	sdelay $0x1  }
0x2cf: {  	v33 =	vadd.f32 v33, v26;
	_ =	sdelay $0x1  }
0x2d0: {  	[tilespmem:v34+s18+$0x0] =	vst.idx.msk $0xffff, v33  }
0x2d1: {  	v34 =	vld.idx.msk [tilespmem:v37+s15+$0x0], $0xffff  }
0x2d2: {  	v59 =	vor.u32 s28, v16;
	v36 =	vand.u32 $0xF8, v58;
	v33 =	vor.u32 v7, v35  }
0x2d3: {  	v38 =	vshll.u32 v59, $0x6;
	v36 =	vor.u32 v36, v33  }
0x2d4: {  	v38 =	vor.u32 v27, v38;
	_ =	sdelay $0x1  }
0x2d5: {  	v34 =	vadd.f32 v34, v26;
	_ =	sdelay $0x1  }
0x2d6: {  	[tilespmem:v36+s18+$0x0] =	vst.idx.msk $0xffff, v34  }
0x2d7: {  	v36 =	vld.idx.msk [tilespmem:v38+s15+$0x0], $0xffff  }
0x2d8: {  	v60 =	vor.u32 s28, v17;
	v37 =	vand.u32 $0xF8, v59;
	v34 =	vor.u32 v8, v35  }
0x2d9: {  	v39 =	vshll.u32 v60, $0x6;
	v37 =	vor.u32 v37, v34  }
0x2da: {  	v39 =	vor.u32 v27, v39;
	_ =	sdelay $0x1  }
0x2db: {  	v36 =	vadd.f32 v36, v26;
	_ =	sdelay $0x1  }
0x2dc: {  	[tilespmem:v37+s18+$0x0] =	vst.idx.msk $0xffff, v36  }
0x2dd: {  	v36 =	vld.idx.msk [tilespmem:v39+s15+$0x0], $0xffff  }
0x2de: {  	v62 =	vor.u32 s28, v15;
	v61 =	vand.u32 $0xF8, v60;
	v35 =	vor.u32 v9, v35  }
0x2df: {  	v63 =	vshll.u32 v62, $0x6;
	v37 =	vor.u32 v61, v35  }
0x2e0: {  	v39 =	vor.u32 v27, v63;
	_ =	sdelay $0x1  }
0x2e1: {  	v36 =	vadd.f32 v36, v26;
	_ =	sdelay $0x1  }
0x2e2: {  	[tilespmem:v37+s18+$0x0] =	vst.idx.msk $0xffff, v36  }
0x2e3: {  	v36 =	vld.idx.msk [tilespmem:v39+s15+$0x0], $0xffff  }
0x2e4: {  	v42 =	vor.u32 s28, v18;
	v41 =	vand.u32 $0xF8, v62  }
0x2e5: {  	v43 =	vshll.u32 v42, $0x6;
	v37 =	vor.u32 v41, v28  }
0x2e6: {  	v39 =	vor.u32 v27, v43;
	_ =	sdelay $0x1  }
0x2e7: {  	v36 =	vadd.f32 v36, v26;
	_ =	sdelay $0x1  }
0x2e8: {  	[tilespmem:v37+s18+$0x0] =	vst.idx.msk $0xffff, v36  }
0x2e9: {  	v36 =	vld.idx.msk [tilespmem:v39+s15+$0x0], $0xffff  }
0x2ea: {  	v45 =	vor.u32 s28, v19;
	v44 =	vand.u32 $0xF8, v42  }
0x2eb: {  	v46 =	vshll.u32 v45, $0x6;
	v37 =	vor.u32 v44, v29  }
0x2ec: {  	v39 =	vor.u32 v27, v46;
	_ =	sdelay $0x1  }
0x2ed: {  	v36 =	vadd.f32 v36, v26;
	_ =	sdelay $0x1  }
0x2ee: {  	[tilespmem:v37+s18+$0x0] =	vst.idx.msk $0xffff, v36  }
0x2ef: {  	v36 =	vld.idx.msk [tilespmem:v39+s15+$0x0], $0xffff  }
0x2f0: {  	v48 =	vor.u32 s28, v20;
	v47 =	vand.u32 $0xF8, v45  }
0x2f1: {  	v49 =	vshll.u32 v48, $0x6;
	v37 =	vor.u32 v47, v30  }
0x2f2: {  	v39 =	vor.u32 v27, v49;
	_ =	sdelay $0x1  }
0x2f3: {  	v36 =	vadd.f32 v36, v26;
	_ =	sdelay $0x1  }
0x2f4: {  	[tilespmem:v37+s18+$0x0] =	vst.idx.msk $0xffff, v36  }
0x2f5: {  	v36 =	vld.idx.msk [tilespmem:v39+s15+$0x0], $0xffff  }
0x2f6: {  	v51 =	vor.u32 s28, v21;
	v50 =	vand.u32 $0xF8, v48  }
0x2f7: {  	v52 =	vshll.u32 v51, $0x6;
	v37 =	vor.u32 v50, v31  }
0x2f8: {  	v39 =	vor.u32 v27, v52;
	_ =	sdelay $0x1  }
0x2f9: {  	v36 =	vadd.f32 v36, v26;
	_ =	sdelay $0x1  }
0x2fa: {  	[tilespmem:v37+s18+$0x0] =	vst.idx.msk $0xffff, v36  }
0x2fb: {  	v36 =	vld.idx.msk [tilespmem:v39+s15+$0x0], $0xffff  }
0x2fc: {  	v54 =	vor.u32 s28, v22;
	v53 =	vand.u32 $0xF8, v51  }
0x2fd: {  	v55 =	vshll.u32 v54, $0x6;
	v37 =	vor.u32 v53, v32  }
0x2fe: {  	v39 =	vor.u32 v27, v55;
	_ =	sdelay $0x1  }
0x2ff: {  	v36 =	vadd.f32 v36, v26;
	_ =	sdelay $0x1  }
0x300: {  	[tilespmem:v37+s18+$0x0] =	vst.idx.msk $0xffff, v36  }
0x301: {  	v36 =	vld.idx.msk [tilespmem:v39+s15+$0x0], $0xffff  }
0x302: {  	v56 =	vand.u32 $0xF8, v54;
	v57 =	vor.u32 s28, v23  }
0x303: {  	v58 =	vshll.u32 v57, $0x6;
	v37 =	vor.u32 v56, v33  }
0x304: {  	v39 =	vor.u32 v27, v58;
	_ =	sdelay $0x1  }
0x305: {  	v36 =	vadd.f32 v36, v26;
	_ =	sdelay $0x1  }
0x306: {  	[tilespmem:v37+s18+$0x0] =	vst.idx.msk $0xffff, v36  }
0x307: {  	v36 =	vld.idx.msk [tilespmem:v39+s15+$0x0], $0xffff  }
0x308: {  	v60 =	vor.u32 s28, v24;
	v59 =	vand.u32 $0xF8, v57  }
0x309: {  	v61 =	vshll.u32 v60, $0x6;
	v37 =	vor.u32 v59, v34  }
0x30a: {  	v39 =	vor.u32 v27, v61;
	_ =	sdelay $0x1  }
0x30b: {  	v36 =	vadd.f32 v36, v26;
	_ =	sdelay $0x1  }
0x30c: {  	[tilespmem:v37+s18+$0x0] =	vst.idx.msk $0xffff, v36  }
0x30d: {  	s28 =	simm.s32 $0x10;
	v39 =	vld.idx.msk [tilespmem:v39+s15+$0x0], $0xffff  }
0x30e: {  	v62 =	vor.u32 s28, v0;
	v63 =	vand.u32 $0xF8, v60  }
0x30f: {  	v40 =	vshll.u32 v62, $0x6;
	v38 =	vor.u32 v63, v35  }
0x310: {  	v37 =	vor.u32 v27, v40;
	_ =	sdelay $0x1  }
0x311: {  	s29 =	simm.s32 $0x20;
	v36 =	vand.u32 $0xF8, v62;
	v39 =	vadd.f32 v39, v26  }
.LBB2_14:
0x312: {  	_ = 	snop  }
0x313: {  	p0 =	sne.s32 s29, $0xF0;
	s30 =	smov.u32 s29;
	s29 =	sadd.s32 $0x10, s29;
	[tilespmem:v38+s18+$0x0] =	vst.idx.msk $0xffff, v39  }
0x314: {  	v37 =	vld.idx.msk [tilespmem:v37+s15+$0x0], $0xffff;
	_ =	sdelay $0x1  }
0x315: {  	v38 =	vor.u32 s28, v10  }
0x316: {  	v36 =	vor.u32 v36, v28;
	v39 =	vshll.u32 v38, $0x6;
	v38 =	vand.u32 $0xF8, v38  }
0x317: {  	v39 =	vor.u32 v27, v39;
	_ =	sdelay $0x1  }
0x318: {  	v37 =	vadd.f32 v37, v26;
	_ =	sdelay $0x1  }
0x319: {  	[tilespmem:v36+s18+$0x0] =	vst.idx.msk $0xffff, v37  }
0x31a: {  	v36 =	vld.idx.msk [tilespmem:v39+s15+$0x0], $0xffff;
	_ =	sdelay $0x1  }
0x31b: {  	v37 =	vor.u32 s28, v11  }
0x31c: {  	v38 =	vor.u32 v38, v29;
	v39 =	vshll.u32 v37, $0x6;
	v37 =	vand.u32 $0xF8, v37  }
0x31d: {  	v39 =	vor.u32 v27, v39;
	_ =	sdelay $0x1  }
0x31e: {  	v36 =	vadd.f32 v36, v26;
	_ =	sdelay $0x1  }
0x31f: {  	[tilespmem:v38+s18+$0x0] =	vst.idx.msk $0xffff, v36  }
0x320: {  	v36 =	vld.idx.msk [tilespmem:v39+s15+$0x0], $0xffff;
	_ =	sdelay $0x1  }
0x321: {  	v38 =	vor.u32 s28, v12  }
0x322: {  	v37 =	vor.u32 v37, v30;
	v39 =	vshll.u32 v38, $0x6;
	v38 =	vand.u32 $0xF8, v38  }
0x323: {  	v39 =	vor.u32 v27, v39;
	_ =	sdelay $0x1  }
0x324: {  	v36 =	vadd.f32 v36, v26;
	_ =	sdelay $0x1  }
0x325: {  	[tilespmem:v37+s18+$0x0] =	vst.idx.msk $0xffff, v36  }
0x326: {  	v36 =	vld.idx.msk [tilespmem:v39+s15+$0x0], $0xffff;
	_ =	sdelay $0x1  }
0x327: {  	v37 =	vor.u32 s28, v13  }
0x328: {  	v38 =	vor.u32 v38, v31;
	v39 =	vshll.u32 v37, $0x6;
	v37 =	vand.u32 $0xF8, v37  }
0x329: {  	v39 =	vor.u32 v27, v39;
	_ =	sdelay $0x1  }
0x32a: {  	v36 =	vadd.f32 v36, v26;
	_ =	sdelay $0x1  }
0x32b: {  	[tilespmem:v38+s18+$0x0] =	vst.idx.msk $0xffff, v36  }
0x32c: {  	v36 =	vld.idx.msk [tilespmem:v39+s15+$0x0], $0xffff;
	_ =	sdelay $0x1  }
0x32d: {  	v38 =	vor.u32 s28, v14  }
0x32e: {  	v37 =	vor.u32 v37, v32;
	v39 =	vshll.u32 v38, $0x6;
	v38 =	vand.u32 $0xF8, v38  }
0x32f: {  	v39 =	vor.u32 v27, v39;
	_ =	sdelay $0x1  }
0x330: {  	v36 =	vadd.f32 v36, v26;
	_ =	sdelay $0x1  }
0x331: {  	[tilespmem:v37+s18+$0x0] =	vst.idx.msk $0xffff, v36  }
0x332: {  	v36 =	vld.idx.msk [tilespmem:v39+s15+$0x0], $0xffff;
	_ =	sdelay $0x1  }
0x333: {  	v37 =	vor.u32 s28, v16  }
0x334: {  	v38 =	vor.u32 v38, v33;
	v39 =	vshll.u32 v37, $0x6;
	v37 =	vand.u32 $0xF8, v37  }
0x335: {  	v39 =	vor.u32 v27, v39;
	_ =	sdelay $0x1  }
0x336: {  	v36 =	vadd.f32 v36, v26;
	_ =	sdelay $0x1  }
0x337: {  	[tilespmem:v38+s18+$0x0] =	vst.idx.msk $0xffff, v36  }
0x338: {  	v36 =	vld.idx.msk [tilespmem:v39+s15+$0x0], $0xffff;
	_ =	sdelay $0x1  }
0x339: {  	v38 =	vor.u32 s28, v17  }
0x33a: {  	v37 =	vor.u32 v37, v34;
	v39 =	vshll.u32 v38, $0x6;
	v38 =	vand.u32 $0xF8, v38  }
0x33b: {  	v39 =	vor.u32 v27, v39;
	_ =	sdelay $0x1  }
0x33c: {  	v36 =	vadd.f32 v36, v26;
	_ =	sdelay $0x1  }
0x33d: {  	[tilespmem:v37+s18+$0x0] =	vst.idx.msk $0xffff, v36  }
0x33e: {  	v36 =	vld.idx.msk [tilespmem:v39+s15+$0x0], $0xffff;
	_ =	sdelay $0x1  }
0x33f: {  	v37 =	vor.u32 s28, v15  }
0x340: {  	v38 =	vor.u32 v38, v35;
	v39 =	vshll.u32 v37, $0x6;
	v37 =	vand.u32 $0xF8, v37  }
0x341: {  	v39 =	vor.u32 v27, v39;
	_ =	sdelay $0x1  }
0x342: {  	v36 =	vadd.f32 v36, v26;
	_ =	sdelay $0x1  }
0x343: {  	[tilespmem:v38+s18+$0x0] =	vst.idx.msk $0xffff, v36  }
0x344: {  	v36 =	vld.idx.msk [tilespmem:v39+s15+$0x0], $0xffff;
	_ =	sdelay $0x1  }
0x345: {  	v38 =	vor.u32 s28, v18  }
0x346: {  	v37 =	vor.u32 v37, v28;
	v39 =	vshll.u32 v38, $0x6;
	v38 =	vand.u32 $0xF8, v38  }
0x347: {  	v39 =	vor.u32 v27, v39;
	_ =	sdelay $0x1  }
0x348: {  	v36 =	vadd.f32 v36, v26;
	_ =	sdelay $0x1  }
0x349: {  	[tilespmem:v37+s18+$0x0] =	vst.idx.msk $0xffff, v36  }
0x34a: {  	v36 =	vld.idx.msk [tilespmem:v39+s15+$0x0], $0xffff;
	_ =	sdelay $0x1  }
0x34b: {  	v37 =	vor.u32 s28, v19  }
0x34c: {  	v38 =	vor.u32 v38, v29;
	v39 =	vshll.u32 v37, $0x6;
	v37 =	vand.u32 $0xF8, v37  }
0x34d: {  	v39 =	vor.u32 v27, v39;
	_ =	sdelay $0x1  }
0x34e: {  	v36 =	vadd.f32 v36, v26;
	_ =	sdelay $0x1  }
0x34f: {  	[tilespmem:v38+s18+$0x0] =	vst.idx.msk $0xffff, v36  }
0x350: {  	v36 =	vld.idx.msk [tilespmem:v39+s15+$0x0], $0xffff;
	_ =	sdelay $0x1  }
0x351: {  	v38 =	vor.u32 s28, v20  }
0x352: {  	v37 =	vor.u32 v37, v30;
	v39 =	vshll.u32 v38, $0x6;
	v38 =	vand.u32 $0xF8, v38  }
0x353: {  	v39 =	vor.u32 v27, v39;
	_ =	sdelay $0x1  }
0x354: {  	v36 =	vadd.f32 v36, v26;
	_ =	sdelay $0x1  }
0x355: {  	[tilespmem:v37+s18+$0x0] =	vst.idx.msk $0xffff, v36  }
0x356: {  	v36 =	vld.idx.msk [tilespmem:v39+s15+$0x0], $0xffff;
	_ =	sdelay $0x1  }
0x357: {  	v37 =	vor.u32 s28, v21  }
0x358: {  	v38 =	vor.u32 v38, v31;
	v39 =	vshll.u32 v37, $0x6;
	v37 =	vand.u32 $0xF8, v37  }
0x359: {  	v39 =	vor.u32 v27, v39;
	_ =	sdelay $0x1  }
0x35a: {  	v36 =	vadd.f32 v36, v26;
	_ =	sdelay $0x1  }
0x35b: {  	[tilespmem:v38+s18+$0x0] =	vst.idx.msk $0xffff, v36  }
0x35c: {  	v36 =	vld.idx.msk [tilespmem:v39+s15+$0x0], $0xffff;
	_ =	sdelay $0x1  }
0x35d: {  	v38 =	vor.u32 s28, v22  }
0x35e: {  	v37 =	vor.u32 v37, v32;
	v39 =	vshll.u32 v38, $0x6;
	v38 =	vand.u32 $0xF8, v38  }
0x35f: {  	v39 =	vor.u32 v27, v39;
	_ =	sdelay $0x1  }
0x360: {  	v36 =	vadd.f32 v36, v26;
	_ =	sdelay $0x1  }
0x361: {  	[tilespmem:v37+s18+$0x0] =	vst.idx.msk $0xffff, v36  }
0x362: {  	v36 =	vld.idx.msk [tilespmem:v39+s15+$0x0], $0xffff;
	_ =	sdelay $0x1  }
0x363: {  	v37 =	vor.u32 s28, v23  }
0x364: {  	v38 =	vor.u32 v38, v33;
	v39 =	vshll.u32 v37, $0x6;
	v37 =	vand.u32 $0xF8, v37  }
0x365: {  	v39 =	vor.u32 v27, v39;
	_ =	sdelay $0x1  }
0x366: {  	v36 =	vadd.f32 v36, v26;
	_ =	sdelay $0x1  }
0x367: {  	[tilespmem:v38+s18+$0x0] =	vst.idx.msk $0xffff, v36  }
0x368: {  	v36 =	vld.idx.msk [tilespmem:v39+s15+$0x0], $0xffff;
	_ =	sdelay $0x1  }
0x369: {  	v38 =	vor.u32 s28, v24;
	s28 =	smov.u32 s30  }
0x36a: {  	v37 =	vor.u32 v37, v34;
	v39 =	vshll.u32 v38, $0x6;
	v38 =	vand.u32 $0xF8, v38  }
0x36b: {  	v39 =	vor.u32 v27, v39;
	_ =	sdelay $0x1  }
0x36c: {  	v36 =	vadd.f32 v36, v26;
	_ =	sdelay $0x1  }
0x36d: {  	[tilespmem:v37+s18+$0x0] =	vst.idx.msk $0xffff, v36  }
0x36e: {  	v39 =	vld.idx.msk [tilespmem:v39+s15+$0x0], $0xffff;
	_ =	sdelay $0x1  }
.Ltmp5:
0x36f: {  	v36 =	vor.u32 s28, v0;
	(pc) =	sbr.rel @p0 .LBB2_14-.Ltmp5, $3  }
0x370: {  	v38 =	vor.u32 v38, v35;
	v37 =	vshll.u32 v36, $0x6;
	v36 =	vand.u32 $0xF8, v36  }
0x371: {  	v37 =	vor.u32 v27, v37;
	_ =	sdelay $0x1  }
0x372: {  	v39 =	vadd.f32 v39, v26  }
0x373: {  	_ =	sdelay $0x3  }
0x374: {  	[tilespmem:v38+s18+$0x0] =	vst.idx.msk $0xffff, v39  }
0x375: {  	v37 =	vld.idx.msk [tilespmem:v37+s15+$0x0], $0xffff  }
0x376: {  	v63 =	vor.u32 s28, v10  }
0x377: {  	v36 =	vor.u32 v36, v28;
	v42 =	vshll.u32 v63, $0x6  }
0x378: {  	v39 =	vor.u32 v27, v42;
	_ =	sdelay $0x1  }
0x379: {  	v37 =	vadd.f32 v37, v26;
	_ =	sdelay $0x1  }
0x37a: {  	[tilespmem:v36+s18+$0x0] =	vst.idx.msk $0xffff, v37  }
0x37b: {  	v36 =	vld.idx.msk [tilespmem:v39+s15+$0x0], $0xffff  }
0x37c: {  	v44 =	vor.u32 s28, v11;
	v43 =	vand.u32 $0xF8, v63  }
0x37d: {  	v45 =	vshll.u32 v44, $0x6;
	v37 =	vor.u32 v43, v29  }
0x37e: {  	v39 =	vor.u32 v27, v45;
	_ =	sdelay $0x1  }
0x37f: {  	v36 =	vadd.f32 v36, v26;
	_ =	sdelay $0x1  }
0x380: {  	[tilespmem:v37+s18+$0x0] =	vst.idx.msk $0xffff, v36  }
0x381: {  	v36 =	vld.idx.msk [tilespmem:v39+s15+$0x0], $0xffff  }
0x382: {  	v47 =	vor.u32 s28, v12;
	v46 =	vand.u32 $0xF8, v44  }
0x383: {  	v48 =	vshll.u32 v47, $0x6;
	v37 =	vor.u32 v46, v30  }
0x384: {  	v39 =	vor.u32 v27, v48;
	_ =	sdelay $0x1  }
0x385: {  	v36 =	vadd.f32 v36, v26;
	_ =	sdelay $0x1  }
0x386: {  	[tilespmem:v37+s18+$0x0] =	vst.idx.msk $0xffff, v36  }
0x387: {  	v36 =	vld.idx.msk [tilespmem:v39+s15+$0x0], $0xffff  }
0x388: {  	v50 =	vor.u32 s28, v13;
	v49 =	vand.u32 $0xF8, v47  }
0x389: {  	v51 =	vshll.u32 v50, $0x6;
	v37 =	vor.u32 v49, v31  }
0x38a: {  	v39 =	vor.u32 v27, v51;
	_ =	sdelay $0x1  }
0x38b: {  	v36 =	vadd.f32 v36, v26;
	_ =	sdelay $0x1  }
0x38c: {  	[tilespmem:v37+s18+$0x0] =	vst.idx.msk $0xffff, v36  }
0x38d: {  	v36 =	vld.idx.msk [tilespmem:v39+s15+$0x0], $0xffff  }
0x38e: {  	v53 =	vor.u32 s28, v14;
	v52 =	vand.u32 $0xF8, v50  }
0x38f: {  	v54 =	vshll.u32 v53, $0x6;
	v37 =	vor.u32 v52, v32  }
0x390: {  	v39 =	vor.u32 v27, v54;
	_ =	sdelay $0x1  }
0x391: {  	v36 =	vadd.f32 v36, v26;
	_ =	sdelay $0x1  }
0x392: {  	[tilespmem:v37+s18+$0x0] =	vst.idx.msk $0xffff, v36  }
0x393: {  	v36 =	vld.idx.msk [tilespmem:v39+s15+$0x0], $0xffff  }
0x394: {  	v56 =	vor.u32 s28, v16;
	v55 =	vand.u32 $0xF8, v53  }
0x395: {  	v57 =	vshll.u32 v56, $0x6;
	v37 =	vor.u32 v55, v33  }
0x396: {  	v39 =	vor.u32 v27, v57;
	_ =	sdelay $0x1  }
0x397: {  	v36 =	vadd.f32 v36, v26;
	_ =	sdelay $0x1  }
0x398: {  	[tilespmem:v37+s18+$0x0] =	vst.idx.msk $0xffff, v36  }
0x399: {  	v36 =	vld.idx.msk [tilespmem:v39+s15+$0x0], $0xffff  }
0x39a: {  	v59 =	vor.u32 s28, v17;
	v58 =	vand.u32 $0xF8, v56  }
0x39b: {  	v60 =	vshll.u32 v59, $0x6;
	v37 =	vor.u32 v58, v34  }
0x39c: {  	v39 =	vor.u32 v27, v60;
	_ =	sdelay $0x1  }
0x39d: {  	v36 =	vadd.f32 v36, v26;
	_ =	sdelay $0x1  }
0x39e: {  	[tilespmem:v37+s18+$0x0] =	vst.idx.msk $0xffff, v36  }
0x39f: {  	v36 =	vld.idx.msk [tilespmem:v39+s15+$0x0], $0xffff  }
0x3a0: {  	v62 =	vor.u32 s28, v15;
	v61 =	vand.u32 $0xF8, v59  }
0x3a1: {  	v63 =	vshll.u32 v62, $0x6;
	v37 =	vor.u32 v61, v35  }
0x3a2: {  	v39 =	vor.u32 v27, v63;
	_ =	sdelay $0x1  }
0x3a3: {  	v36 =	vadd.f32 v36, v26;
	_ =	sdelay $0x1  }
0x3a4: {  	[tilespmem:v37+s18+$0x0] =	vst.idx.msk $0xffff, v36  }
0x3a5: {  	v36 =	vld.idx.msk [tilespmem:v39+s15+$0x0], $0xffff  }
0x3a6: {  	v41 =	vor.u32 s28, v18;
	v40 =	vand.u32 $0xF8, v62  }
0x3a7: {  	v42 =	vor.u32 v40, v28;
	v43 =	vshll.u32 v41, $0x6  }
0x3a8: {  	v37 =	vor.u32 v27, v43;
	_ =	sdelay $0x1  }
0x3a9: {  	v36 =	vadd.f32 v36, v26;
	_ =	sdelay $0x1  }
0x3aa: {  	[tilespmem:v42+s18+$0x0] =	vst.idx.msk $0xffff, v36  }
0x3ab: {  	v28 =	vld.idx.msk [tilespmem:v37+s15+$0x0], $0xffff  }
0x3ac: {  	v44 =	vand.u32 $0xF8, v41;
	v45 =	vor.u32 s28, v19  }
0x3ad: {  	v47 =	vshll.u32 v45, $0x6;
	v46 =	vor.u32 v44, v29  }
0x3ae: {  	v36 =	vor.u32 v27, v47;
	_ =	sdelay $0x1  }
0x3af: {  	v28 =	vadd.f32 v28, v26;
	_ =	sdelay $0x1  }
0x3b0: {  	[tilespmem:v46+s18+$0x0] =	vst.idx.msk $0xffff, v28  }
0x3b1: {  	v28 =	vld.idx.msk [tilespmem:v36+s15+$0x0], $0xffff  }
0x3b2: {  	v48 =	vand.u32 $0xF8, v45;
	v49 =	vor.u32 s28, v20  }
0x3b3: {  	v29 =	vor.u32 v48, v30;
	v50 =	vshll.u32 v49, $0x6  }
0x3b4: {  	v30 =	vor.u32 v27, v50;
	_ =	sdelay $0x1  }
0x3b5: {  	v28 =	vadd.f32 v28, v26;
	_ =	sdelay $0x1  }
0x3b6: {  	[tilespmem:v29+s18+$0x0] =	vst.idx.msk $0xffff, v28  }
0x3b7: {  	v28 =	vld.idx.msk [tilespmem:v30+s15+$0x0], $0xffff  }
0x3b8: {  	v51 =	vand.u32 $0xF8, v49;
	v52 =	vor.u32 s28, v21  }
0x3b9: {  	v53 =	vshll.u32 v52, $0x6;
	v29 =	vor.u32 v51, v31  }
0x3ba: {  	v31 =	vor.u32 v27, v53;
	_ =	sdelay $0x1  }
0x3bb: {  	v28 =	vadd.f32 v28, v26;
	_ =	sdelay $0x1  }
0x3bc: {  	[tilespmem:v29+s18+$0x0] =	vst.idx.msk $0xffff, v28  }
0x3bd: {  	v28 =	vld.idx.msk [tilespmem:v31+s15+$0x0], $0xffff  }
0x3be: {  	v54 =	vand.u32 $0xF8, v52;
	v55 =	vor.u32 s28, v22  }
0x3bf: {  	v56 =	vshll.u32 v55, $0x6;
	v29 =	vor.u32 v54, v32  }
0x3c0: {  	v31 =	vor.u32 v27, v56;
	_ =	sdelay $0x1  }
0x3c1: {  	v28 =	vadd.f32 v28, v26;
	_ =	sdelay $0x1  }
0x3c2: {  	[tilespmem:v29+s18+$0x0] =	vst.idx.msk $0xffff, v28  }
0x3c3: {  	v28 =	vld.idx.msk [tilespmem:v31+s15+$0x0], $0xffff  }
0x3c4: {  	v57 =	vand.u32 $0xF8, v55;
	v58 =	vor.u32 s28, v23  }
0x3c5: {  	v59 =	vshll.u32 v58, $0x6;
	v29 =	vor.u32 v57, v33  }
0x3c6: {  	v31 =	vor.u32 v27, v59;
	_ =	sdelay $0x1  }
0x3c7: {  	v28 =	vadd.f32 v28, v26;
	_ =	sdelay $0x1  }
0x3c8: {  	[tilespmem:v29+s18+$0x0] =	vst.idx.msk $0xffff, v28  }
0x3c9: {  	v28 =	vld.idx.msk [tilespmem:v31+s15+$0x0], $0xffff  }
0x3ca: {  	v60 =	vand.u32 $0xF8, v58;
	v61 =	vor.u32 s28, v24  }
0x3cb: {  	v62 =	vshll.u32 v61, $0x6;
	v29 =	vor.u32 v60, v34  }
0x3cc: {  	v27 =	vor.u32 v27, v62;
	_ =	sdelay $0x1  }
0x3cd: {  	v28 =	vadd.f32 v28, v26;
	_ =	sdelay $0x1  }
0x3ce: {  	[tilespmem:v29+s18+$0x0] =	vst.idx.msk $0xffff, v28  }
0x3cf: {  	v27 =	vld.idx.msk [tilespmem:v27+s15+$0x0], $0xffff  }
0x3d0: {  	s26 =	sadd.s32 $0x1, s26;
	v63 =	vand.u32 $0xF8, v61  }
0x3d1: {  	p0 =	sne.s32 s26, $0x4;
	v28 =	vor.u32 v63, v35  }
.Ltmp6:
0x3d2: {  	_ = 	snop;
	(pc) =	sbr.rel @p0 .LBB2_13-.Ltmp6, $3  }
0x3d3: {  	_ = 	snop  }
0x3d4: {  	v26 =	vadd.f32 v27, v26;
	_ =	sdelay $0x1  }
0x3d5: {  	[tilespmem:v28+s18+$0x0] =	vst.idx.msk $0xffff, v26  }
0x3d6: {  	s26 =	sshll.u32 s24, $0x15  }
0x3d7: {  	s26 =	sor.u32 s7, s26  }
0x3d8: {  	s26 =	sshrl.u32 s26, $0x3  }
0x3d9: {  	p0 =	seq.s32 s24, $0x9;
	s26 =	sadd.s32 s5, s26  }
0x3da: {  	[hbm4b:s26+s13] =	stream.strided.scatter [tilespmem:s18], [sflag:$0x3], $0x4000, s14, s13, $0x38;
	[tilespmem:$0x11C00] =	vst v63  }
0x3db: {  	p1 =	seq.s32 @!p0 s24, $0x0;
	s26 =	sshll.u32 @!p0 s24, $0x9;
	_ =	swait.ge [sflag:s19], $0x4000  }
0x3dc: {  	s28 =	simm.s32 @!p0 $0x100;
	s26 =	sand.u32 @!p0 $0x3FFFFE00, s26;
	[sflag:s19] =	ssyncset.done $0x0  }
0x3dd: {  	s29 =	simm.s32 @!p0 $0x1400;
	s26 =	sadd.s32 @!p0 $0x200, s26;
	[sflag:s19] =	ssyncadd.s32 $0xFFFFC000  }
0x3de: {  	[tilespmem:s29], [sflag:$0x1] =	stream.indirect.gather @!p0 [hbm4b:s3+s28], $0x40, s26, s28, $0xb8;
	[tilespmem:$0x11C00] =	vst v63  }
0x3df: {  	p0 =	por p0, !p1  }
0x3e0: {  	_ =	swait.ge @p0 [sflag:s22], $0x4000  }
0x3e1: {  	s31 =	sshll.u32 s25, $0x6;
	[sflag:s22] =	ssyncset.done @p0 $0x0  }
0x3e2: {  	v25 =	vor.u32 s31, v1;
	s26 =	simm.s32 $0x0;
	s28 =	simm.s32 $0x0;
	[sflag:s22] =	ssyncadd.s32 @p0 $0xFFFFC000  }
.LBB2_17:
0x3e3: {  	s29 =	sshll.u32 s28, $0x4  }
0x3e4: {  	v28 =	vor.u32 s29, v0  }
0x3e5: {  	v29 =	vor.u32 s26, v0;
	v26 =	vand.u32 $0x38, v28  }
0x3e6: {  	v30 =	vshll.u32 v29, $0x6;
	v27 =	vand.u32 v2, v28;
	v26 =	vor.u32 v25, v26  }
0x3e7: {  	v30 =	vor.u32 v27, v30;
	_ =	sdelay $0x3  }
0x3e8: {  	v26 =	vld.idx.msk [tilespmem:v26+s11+$0x0], $0xffff  }
0x3e9: {  	v35 =	vshll.u32 v28, $0x8;
	v30 =	vld.idx.msk [tilespmem:v30+s17+$0x0], $0xffff  }
0x3ea: {  	v31 =	vor.u32 s26, v10;
	v29 =	vand.u32 $0xF8, v29;
	v28 =	vor.u32 v1, v35  }
0x3eb: {  	v32 =	vshll.u32 v31, $0x6;
	v29 =	vor.u32 v29, v28  }
0x3ec: {  	v32 =	vor.u32 v27, v32;
	_ =	sdelay $0x1  }
0x3ed: {  	v30 =	vadd.f32 v30, v26;
	_ =	sdelay $0x1  }
0x3ee: {  	[tilespmem:v29+s20+$0x0] =	vst.idx.msk $0xffff, v30  }
0x3ef: {  	v30 =	vld.idx.msk [tilespmem:v32+s17+$0x0], $0xffff  }
0x3f0: {  	v55 =	vor.u32 s26, v11;
	v31 =	vand.u32 $0xF8, v31;
	v29 =	vor.u32 v3, v35  }
0x3f1: {  	v33 =	vshll.u32 v55, $0x6;
	v31 =	vor.u32 v31, v29  }
0x3f2: {  	v33 =	vor.u32 v27, v33;
	_ =	sdelay $0x1  }
0x3f3: {  	v30 =	vadd.f32 v30, v26;
	_ =	sdelay $0x1  }
0x3f4: {  	[tilespmem:v31+s20+$0x0] =	vst.idx.msk $0xffff, v30  }
0x3f5: {  	v31 =	vld.idx.msk [tilespmem:v33+s17+$0x0], $0xffff  }
0x3f6: {  	v56 =	vor.u32 s26, v12;
	v32 =	vand.u32 $0xF8, v55;
	v30 =	vor.u32 v4, v35  }
0x3f7: {  	v34 =	vshll.u32 v56, $0x6;
	v32 =	vor.u32 v32, v30  }
0x3f8: {  	v34 =	vor.u32 v27, v34;
	_ =	sdelay $0x1  }
0x3f9: {  	v31 =	vadd.f32 v31, v26;
	_ =	sdelay $0x1  }
0x3fa: {  	[tilespmem:v32+s20+$0x0] =	vst.idx.msk $0xffff, v31  }
0x3fb: {  	v32 =	vld.idx.msk [tilespmem:v34+s17+$0x0], $0xffff  }
0x3fc: {  	v57 =	vor.u32 s26, v13;
	v33 =	vand.u32 $0xF8, v56;
	v31 =	vor.u32 v5, v35  }
0x3fd: {  	v36 =	vshll.u32 v57, $0x6;
	v33 =	vor.u32 v33, v31  }
0x3fe: {  	v36 =	vor.u32 v27, v36;
	_ =	sdelay $0x1  }
0x3ff: {  	v32 =	vadd.f32 v32, v26;
	_ =	sdelay $0x1  }
0x400: {  	[tilespmem:v33+s20+$0x0] =	vst.idx.msk $0xffff, v32  }
0x401: {  	v33 =	vld.idx.msk [tilespmem:v36+s17+$0x0], $0xffff  }
0x402: {  	v58 =	vor.u32 s26, v14;
	v34 =	vand.u32 $0xF8, v57;
	v32 =	vor.u32 v6, v35  }
0x403: {  	v37 =	vshll.u32 v58, $0x6;
	v34 =	vor.u32 v34, v32  }
0x404: {  	v37 =	vor.u32 v27, v37;
	_ =	sdelay $0x1  }
0x405: {  	v33 =	vadd.f32 v33, v26;
	_ =	sdelay $0x1  }
0x406: {  	[tilespmem:v34+s20+$0x0] =	vst.idx.msk $0xffff, v33  }
0x407: {  	v34 =	vld.idx.msk [tilespmem:v37+s17+$0x0], $0xffff  }
0x408: {  	v59 =	vor.u32 s26, v16;
	v36 =	vand.u32 $0xF8, v58;
	v33 =	vor.u32 v7, v35  }
0x409: {  	v38 =	vshll.u32 v59, $0x6;
	v36 =	vor.u32 v36, v33  }
0x40a: {  	v38 =	vor.u32 v27, v38;
	_ =	sdelay $0x1  }
0x40b: {  	v34 =	vadd.f32 v34, v26;
	_ =	sdelay $0x1  }
0x40c: {  	[tilespmem:v36+s20+$0x0] =	vst.idx.msk $0xffff, v34  }
0x40d: {  	v36 =	vld.idx.msk [tilespmem:v38+s17+$0x0], $0xffff  }
0x40e: {  	v60 =	vor.u32 s26, v17;
	v37 =	vand.u32 $0xF8, v59;
	v34 =	vor.u32 v8, v35  }
0x40f: {  	v39 =	vshll.u32 v60, $0x6;
	v37 =	vor.u32 v37, v34  }
0x410: {  	v39 =	vor.u32 v27, v39;
	_ =	sdelay $0x1  }
0x411: {  	v36 =	vadd.f32 v36, v26;
	_ =	sdelay $0x1  }
0x412: {  	[tilespmem:v37+s20+$0x0] =	vst.idx.msk $0xffff, v36  }
0x413: {  	v36 =	vld.idx.msk [tilespmem:v39+s17+$0x0], $0xffff  }
0x414: {  	v62 =	vor.u32 s26, v15;
	v61 =	vand.u32 $0xF8, v60;
	v35 =	vor.u32 v9, v35  }
0x415: {  	v63 =	vshll.u32 v62, $0x6;
	v37 =	vor.u32 v61, v35  }
0x416: {  	v39 =	vor.u32 v27, v63;
	_ =	sdelay $0x1  }
0x417: {  	v36 =	vadd.f32 v36, v26;
	_ =	sdelay $0x1  }
0x418: {  	[tilespmem:v37+s20+$0x0] =	vst.idx.msk $0xffff, v36  }
0x419: {  	v36 =	vld.idx.msk [tilespmem:v39+s17+$0x0], $0xffff  }
0x41a: {  	v42 =	vor.u32 s26, v18;
	v41 =	vand.u32 $0xF8, v62  }
0x41b: {  	v43 =	vshll.u32 v42, $0x6;
	v37 =	vor.u32 v41, v28  }
0x41c: {  	v39 =	vor.u32 v27, v43;
	_ =	sdelay $0x1  }
0x41d: {  	v36 =	vadd.f32 v36, v26;
	_ =	sdelay $0x1  }
0x41e: {  	[tilespmem:v37+s20+$0x0] =	vst.idx.msk $0xffff, v36  }
0x41f: {  	v36 =	vld.idx.msk [tilespmem:v39+s17+$0x0], $0xffff  }
0x420: {  	v45 =	vor.u32 s26, v19;
	v44 =	vand.u32 $0xF8, v42  }
0x421: {  	v46 =	vshll.u32 v45, $0x6;
	v37 =	vor.u32 v44, v29  }
0x422: {  	v39 =	vor.u32 v27, v46;
	_ =	sdelay $0x1  }
0x423: {  	v36 =	vadd.f32 v36, v26;
	_ =	sdelay $0x1  }
0x424: {  	[tilespmem:v37+s20+$0x0] =	vst.idx.msk $0xffff, v36  }
0x425: {  	v36 =	vld.idx.msk [tilespmem:v39+s17+$0x0], $0xffff  }
0x426: {  	v48 =	vor.u32 s26, v20;
	v47 =	vand.u32 $0xF8, v45  }
0x427: {  	v49 =	vshll.u32 v48, $0x6;
	v37 =	vor.u32 v47, v30  }
0x428: {  	v39 =	vor.u32 v27, v49;
	_ =	sdelay $0x1  }
0x429: {  	v36 =	vadd.f32 v36, v26;
	_ =	sdelay $0x1  }
0x42a: {  	[tilespmem:v37+s20+$0x0] =	vst.idx.msk $0xffff, v36  }
0x42b: {  	v36 =	vld.idx.msk [tilespmem:v39+s17+$0x0], $0xffff  }
0x42c: {  	v51 =	vor.u32 s26, v21;
	v50 =	vand.u32 $0xF8, v48  }
0x42d: {  	v52 =	vshll.u32 v51, $0x6;
	v37 =	vor.u32 v50, v31  }
0x42e: {  	v39 =	vor.u32 v27, v52;
	_ =	sdelay $0x1  }
0x42f: {  	v36 =	vadd.f32 v36, v26;
	_ =	sdelay $0x1  }
0x430: {  	[tilespmem:v37+s20+$0x0] =	vst.idx.msk $0xffff, v36  }
0x431: {  	v36 =	vld.idx.msk [tilespmem:v39+s17+$0x0], $0xffff  }
0x432: {  	v54 =	vor.u32 s26, v22;
	v53 =	vand.u32 $0xF8, v51  }
0x433: {  	v55 =	vshll.u32 v54, $0x6;
	v37 =	vor.u32 v53, v32  }
0x434: {  	v39 =	vor.u32 v27, v55;
	_ =	sdelay $0x1  }
0x435: {  	v36 =	vadd.f32 v36, v26;
	_ =	sdelay $0x1  }
0x436: {  	[tilespmem:v37+s20+$0x0] =	vst.idx.msk $0xffff, v36  }
0x437: {  	v36 =	vld.idx.msk [tilespmem:v39+s17+$0x0], $0xffff  }
0x438: {  	v56 =	vand.u32 $0xF8, v54;
	v57 =	vor.u32 s26, v23  }
0x439: {  	v58 =	vshll.u32 v57, $0x6;
	v37 =	vor.u32 v56, v33  }
0x43a: {  	v39 =	vor.u32 v27, v58;
	_ =	sdelay $0x1  }
0x43b: {  	v36 =	vadd.f32 v36, v26;
	_ =	sdelay $0x1  }
0x43c: {  	[tilespmem:v37+s20+$0x0] =	vst.idx.msk $0xffff, v36  }
0x43d: {  	v36 =	vld.idx.msk [tilespmem:v39+s17+$0x0], $0xffff  }
0x43e: {  	v60 =	vor.u32 s26, v24;
	v59 =	vand.u32 $0xF8, v57  }
0x43f: {  	v61 =	vshll.u32 v60, $0x6;
	v37 =	vor.u32 v59, v34  }
0x440: {  	v39 =	vor.u32 v27, v61;
	_ =	sdelay $0x1  }
0x441: {  	v36 =	vadd.f32 v36, v26;
	_ =	sdelay $0x1  }
0x442: {  	[tilespmem:v37+s20+$0x0] =	vst.idx.msk $0xffff, v36  }
0x443: {  	s29 =	simm.s32 $0x10;
	v39 =	vld.idx.msk [tilespmem:v39+s17+$0x0], $0xffff  }
0x444: {  	v62 =	vor.u32 s29, v0;
	v63 =	vand.u32 $0xF8, v60  }
0x445: {  	v40 =	vshll.u32 v62, $0x6;
	v38 =	vor.u32 v63, v35  }
0x446: {  	v37 =	vor.u32 v27, v40;
	_ =	sdelay $0x1  }
0x447: {  	s30 =	simm.s32 $0x20;
	v36 =	vand.u32 $0xF8, v62;
	v39 =	vadd.f32 v39, v26  }
.LBB2_18:
0x448: {  	_ = 	snop  }
0x449: {  	p0 =	sne.s32 s30, $0xF0;
	s31 =	smov.u32 s30;
	s30 =	sadd.s32 $0x10, s30;
	[tilespmem:v38+s20+$0x0] =	vst.idx.msk $0xffff, v39  }
0x44a: {  	v37 =	vld.idx.msk [tilespmem:v37+s17+$0x0], $0xffff;
	_ =	sdelay $0x1  }
0x44b: {  	v38 =	vor.u32 s29, v10  }
0x44c: {  	v36 =	vor.u32 v36, v28;
	v39 =	vshll.u32 v38, $0x6;
	v38 =	vand.u32 $0xF8, v38  }
0x44d: {  	v39 =	vor.u32 v27, v39;
	_ =	sdelay $0x1  }
0x44e: {  	v37 =	vadd.f32 v37, v26;
	_ =	sdelay $0x1  }
0x44f: {  	[tilespmem:v36+s20+$0x0] =	vst.idx.msk $0xffff, v37  }
0x450: {  	v36 =	vld.idx.msk [tilespmem:v39+s17+$0x0], $0xffff;
	_ =	sdelay $0x1  }
0x451: {  	v37 =	vor.u32 s29, v11  }
0x452: {  	v38 =	vor.u32 v38, v29;
	v39 =	vshll.u32 v37, $0x6;
	v37 =	vand.u32 $0xF8, v37  }
0x453: {  	v39 =	vor.u32 v27, v39;
	_ =	sdelay $0x1  }
0x454: {  	v36 =	vadd.f32 v36, v26;
	_ =	sdelay $0x1  }
0x455: {  	[tilespmem:v38+s20+$0x0] =	vst.idx.msk $0xffff, v36  }
0x456: {  	v36 =	vld.idx.msk [tilespmem:v39+s17+$0x0], $0xffff;
	_ =	sdelay $0x1  }
0x457: {  	v38 =	vor.u32 s29, v12  }
0x458: {  	v37 =	vor.u32 v37, v30;
	v39 =	vshll.u32 v38, $0x6;
	v38 =	vand.u32 $0xF8, v38  }
0x459: {  	v39 =	vor.u32 v27, v39;
	_ =	sdelay $0x1  }
0x45a: {  	v36 =	vadd.f32 v36, v26;
	_ =	sdelay $0x1  }
0x45b: {  	[tilespmem:v37+s20+$0x0] =	vst.idx.msk $0xffff, v36  }
0x45c: {  	v36 =	vld.idx.msk [tilespmem:v39+s17+$0x0], $0xffff;
	_ =	sdelay $0x1  }
0x45d: {  	v37 =	vor.u32 s29, v13  }
0x45e: {  	v38 =	vor.u32 v38, v31;
	v39 =	vshll.u32 v37, $0x6;
	v37 =	vand.u32 $0xF8, v37  }
0x45f: {  	v39 =	vor.u32 v27, v39;
	_ =	sdelay $0x1  }
0x460: {  	v36 =	vadd.f32 v36, v26;
	_ =	sdelay $0x1  }
0x461: {  	[tilespmem:v38+s20+$0x0] =	vst.idx.msk $0xffff, v36  }
0x462: {  	v36 =	vld.idx.msk [tilespmem:v39+s17+$0x0], $0xffff;
	_ =	sdelay $0x1  }
0x463: {  	v38 =	vor.u32 s29, v14  }
0x464: {  	v37 =	vor.u32 v37, v32;
	v39 =	vshll.u32 v38, $0x6;
	v38 =	vand.u32 $0xF8, v38  }
0x465: {  	v39 =	vor.u32 v27, v39;
	_ =	sdelay $0x1  }
0x466: {  	v36 =	vadd.f32 v36, v26;
	_ =	sdelay $0x1  }
0x467: {  	[tilespmem:v37+s20+$0x0] =	vst.idx.msk $0xffff, v36  }
0x468: {  	v36 =	vld.idx.msk [tilespmem:v39+s17+$0x0], $0xffff;
	_ =	sdelay $0x1  }
0x469: {  	v37 =	vor.u32 s29, v16  }
0x46a: {  	v38 =	vor.u32 v38, v33;
	v39 =	vshll.u32 v37, $0x6;
	v37 =	vand.u32 $0xF8, v37  }
0x46b: {  	v39 =	vor.u32 v27, v39;
	_ =	sdelay $0x1  }
0x46c: {  	v36 =	vadd.f32 v36, v26;
	_ =	sdelay $0x1  }
0x46d: {  	[tilespmem:v38+s20+$0x0] =	vst.idx.msk $0xffff, v36  }
0x46e: {  	v36 =	vld.idx.msk [tilespmem:v39+s17+$0x0], $0xffff;
	_ =	sdelay $0x1  }
0x46f: {  	v38 =	vor.u32 s29, v17  }
0x470: {  	v37 =	vor.u32 v37, v34;
	v39 =	vshll.u32 v38, $0x6;
	v38 =	vand.u32 $0xF8, v38  }
0x471: {  	v39 =	vor.u32 v27, v39;
	_ =	sdelay $0x1  }
0x472: {  	v36 =	vadd.f32 v36, v26;
	_ =	sdelay $0x1  }
0x473: {  	[tilespmem:v37+s20+$0x0] =	vst.idx.msk $0xffff, v36  }
0x474: {  	v36 =	vld.idx.msk [tilespmem:v39+s17+$0x0], $0xffff;
	_ =	sdelay $0x1  }
0x475: {  	v37 =	vor.u32 s29, v15  }
0x476: {  	v38 =	vor.u32 v38, v35;
	v39 =	vshll.u32 v37, $0x6;
	v37 =	vand.u32 $0xF8, v37  }
0x477: {  	v39 =	vor.u32 v27, v39;
	_ =	sdelay $0x1  }
0x478: {  	v36 =	vadd.f32 v36, v26;
	_ =	sdelay $0x1  }
0x479: {  	[tilespmem:v38+s20+$0x0] =	vst.idx.msk $0xffff, v36  }
0x47a: {  	v36 =	vld.idx.msk [tilespmem:v39+s17+$0x0], $0xffff;
	_ =	sdelay $0x1  }
0x47b: {  	v38 =	vor.u32 s29, v18  }
0x47c: {  	v37 =	vor.u32 v37, v28;
	v39 =	vshll.u32 v38, $0x6;
	v38 =	vand.u32 $0xF8, v38  }
0x47d: {  	v39 =	vor.u32 v27, v39;
	_ =	sdelay $0x1  }
0x47e: {  	v36 =	vadd.f32 v36, v26;
	_ =	sdelay $0x1  }
0x47f: {  	[tilespmem:v37+s20+$0x0] =	vst.idx.msk $0xffff, v36  }
0x480: {  	v36 =	vld.idx.msk [tilespmem:v39+s17+$0x0], $0xffff;
	_ =	sdelay $0x1  }
0x481: {  	v37 =	vor.u32 s29, v19  }
0x482: {  	v38 =	vor.u32 v38, v29;
	v39 =	vshll.u32 v37, $0x6;
	v37 =	vand.u32 $0xF8, v37  }
0x483: {  	v39 =	vor.u32 v27, v39;
	_ =	sdelay $0x1  }
0x484: {  	v36 =	vadd.f32 v36, v26;
	_ =	sdelay $0x1  }
0x485: {  	[tilespmem:v38+s20+$0x0] =	vst.idx.msk $0xffff, v36  }
0x486: {  	v36 =	vld.idx.msk [tilespmem:v39+s17+$0x0], $0xffff;
	_ =	sdelay $0x1  }
0x487: {  	v38 =	vor.u32 s29, v20  }
0x488: {  	v37 =	vor.u32 v37, v30;
	v39 =	vshll.u32 v38, $0x6;
	v38 =	vand.u32 $0xF8, v38  }
0x489: {  	v39 =	vor.u32 v27, v39;
	_ =	sdelay $0x1  }
0x48a: {  	v36 =	vadd.f32 v36, v26;
	_ =	sdelay $0x1  }
0x48b: {  	[tilespmem:v37+s20+$0x0] =	vst.idx.msk $0xffff, v36  }
0x48c: {  	v36 =	vld.idx.msk [tilespmem:v39+s17+$0x0], $0xffff;
	_ =	sdelay $0x1  }
0x48d: {  	v37 =	vor.u32 s29, v21  }
0x48e: {  	v38 =	vor.u32 v38, v31;
	v39 =	vshll.u32 v37, $0x6;
	v37 =	vand.u32 $0xF8, v37  }
0x48f: {  	v39 =	vor.u32 v27, v39;
	_ =	sdelay $0x1  }
0x490: {  	v36 =	vadd.f32 v36, v26;
	_ =	sdelay $0x1  }
0x491: {  	[tilespmem:v38+s20+$0x0] =	vst.idx.msk $0xffff, v36  }
0x492: {  	v36 =	vld.idx.msk [tilespmem:v39+s17+$0x0], $0xffff;
	_ =	sdelay $0x1  }
0x493: {  	v38 =	vor.u32 s29, v22  }
0x494: {  	v37 =	vor.u32 v37, v32;
	v39 =	vshll.u32 v38, $0x6;
	v38 =	vand.u32 $0xF8, v38  }
0x495: {  	v39 =	vor.u32 v27, v39;
	_ =	sdelay $0x1  }
0x496: {  	v36 =	vadd.f32 v36, v26;
	_ =	sdelay $0x1  }
0x497: {  	[tilespmem:v37+s20+$0x0] =	vst.idx.msk $0xffff, v36  }
0x498: {  	v36 =	vld.idx.msk [tilespmem:v39+s17+$0x0], $0xffff;
	_ =	sdelay $0x1  }
0x499: {  	v37 =	vor.u32 s29, v23  }
0x49a: {  	v38 =	vor.u32 v38, v33;
	v39 =	vshll.u32 v37, $0x6;
	v37 =	vand.u32 $0xF8, v37  }
0x49b: {  	v39 =	vor.u32 v27, v39;
	_ =	sdelay $0x1  }
0x49c: {  	v36 =	vadd.f32 v36, v26;
	_ =	sdelay $0x1  }
0x49d: {  	[tilespmem:v38+s20+$0x0] =	vst.idx.msk $0xffff, v36  }
0x49e: {  	v36 =	vld.idx.msk [tilespmem:v39+s17+$0x0], $0xffff;
	_ =	sdelay $0x1  }
0x49f: {  	v38 =	vor.u32 s29, v24;
	s29 =	smov.u32 s31  }
0x4a0: {  	v37 =	vor.u32 v37, v34;
	v39 =	vshll.u32 v38, $0x6;
	v38 =	vand.u32 $0xF8, v38  }
0x4a1: {  	v39 =	vor.u32 v27, v39;
	_ =	sdelay $0x1  }
0x4a2: {  	v36 =	vadd.f32 v36, v26;
	_ =	sdelay $0x1  }
0x4a3: {  	[tilespmem:v37+s20+$0x0] =	vst.idx.msk $0xffff, v36  }
0x4a4: {  	v39 =	vld.idx.msk [tilespmem:v39+s17+$0x0], $0xffff;
	_ =	sdelay $0x1  }
.Ltmp7:
0x4a5: {  	v36 =	vor.u32 s29, v0;
	(pc) =	sbr.rel @p0 .LBB2_18-.Ltmp7, $3  }
0x4a6: {  	v38 =	vor.u32 v38, v35;
	v37 =	vshll.u32 v36, $0x6;
	v36 =	vand.u32 $0xF8, v36  }
0x4a7: {  	v37 =	vor.u32 v27, v37;
	_ =	sdelay $0x1  }
0x4a8: {  	v39 =	vadd.f32 v39, v26  }
0x4a9: {  	_ =	sdelay $0x3  }
0x4aa: {  	[tilespmem:v38+s20+$0x0] =	vst.idx.msk $0xffff, v39  }
0x4ab: {  	v37 =	vld.idx.msk [tilespmem:v37+s17+$0x0], $0xffff  }
0x4ac: {  	v63 =	vor.u32 s29, v10  }
0x4ad: {  	v36 =	vor.u32 v36, v28;
	v42 =	vshll.u32 v63, $0x6  }
0x4ae: {  	v39 =	vor.u32 v27, v42;
	_ =	sdelay $0x1  }
0x4af: {  	v37 =	vadd.f32 v37, v26;
	_ =	sdelay $0x1  }
0x4b0: {  	[tilespmem:v36+s20+$0x0] =	vst.idx.msk $0xffff, v37  }
0x4b1: {  	v36 =	vld.idx.msk [tilespmem:v39+s17+$0x0], $0xffff  }
0x4b2: {  	v44 =	vor.u32 s29, v11;
	v43 =	vand.u32 $0xF8, v63  }
0x4b3: {  	v45 =	vshll.u32 v44, $0x6;
	v37 =	vor.u32 v43, v29  }
0x4b4: {  	v39 =	vor.u32 v27, v45;
	_ =	sdelay $0x1  }
0x4b5: {  	v36 =	vadd.f32 v36, v26;
	_ =	sdelay $0x1  }
0x4b6: {  	[tilespmem:v37+s20+$0x0] =	vst.idx.msk $0xffff, v36  }
0x4b7: {  	v36 =	vld.idx.msk [tilespmem:v39+s17+$0x0], $0xffff  }
0x4b8: {  	v47 =	vor.u32 s29, v12;
	v46 =	vand.u32 $0xF8, v44  }
0x4b9: {  	v48 =	vshll.u32 v47, $0x6;
	v37 =	vor.u32 v46, v30  }
0x4ba: {  	v39 =	vor.u32 v27, v48;
	_ =	sdelay $0x1  }
0x4bb: {  	v36 =	vadd.f32 v36, v26;
	_ =	sdelay $0x1  }
0x4bc: {  	[tilespmem:v37+s20+$0x0] =	vst.idx.msk $0xffff, v36  }
0x4bd: {  	v36 =	vld.idx.msk [tilespmem:v39+s17+$0x0], $0xffff  }
0x4be: {  	v50 =	vor.u32 s29, v13;
	v49 =	vand.u32 $0xF8, v47  }
0x4bf: {  	v51 =	vshll.u32 v50, $0x6;
	v37 =	vor.u32 v49, v31  }
0x4c0: {  	v39 =	vor.u32 v27, v51;
	_ =	sdelay $0x1  }
0x4c1: {  	v36 =	vadd.f32 v36, v26;
	_ =	sdelay $0x1  }
0x4c2: {  	[tilespmem:v37+s20+$0x0] =	vst.idx.msk $0xffff, v36  }
0x4c3: {  	v36 =	vld.idx.msk [tilespmem:v39+s17+$0x0], $0xffff  }
0x4c4: {  	v53 =	vor.u32 s29, v14;
	v52 =	vand.u32 $0xF8, v50  }
0x4c5: {  	v54 =	vshll.u32 v53, $0x6;
	v37 =	vor.u32 v52, v32  }
0x4c6: {  	v39 =	vor.u32 v27, v54;
	_ =	sdelay $0x1  }
0x4c7: {  	v36 =	vadd.f32 v36, v26;
	_ =	sdelay $0x1  }
0x4c8: {  	[tilespmem:v37+s20+$0x0] =	vst.idx.msk $0xffff, v36  }
0x4c9: {  	v36 =	vld.idx.msk [tilespmem:v39+s17+$0x0], $0xffff  }
0x4ca: {  	v56 =	vor.u32 s29, v16;
	v55 =	vand.u32 $0xF8, v53  }
0x4cb: {  	v57 =	vshll.u32 v56, $0x6;
	v37 =	vor.u32 v55, v33  }
0x4cc: {  	v39 =	vor.u32 v27, v57;
	_ =	sdelay $0x1  }
0x4cd: {  	v36 =	vadd.f32 v36, v26;
	_ =	sdelay $0x1  }
0x4ce: {  	[tilespmem:v37+s20+$0x0] =	vst.idx.msk $0xffff, v36  }
0x4cf: {  	v36 =	vld.idx.msk [tilespmem:v39+s17+$0x0], $0xffff  }
0x4d0: {  	v59 =	vor.u32 s29, v17;
	v58 =	vand.u32 $0xF8, v56  }
0x4d1: {  	v60 =	vshll.u32 v59, $0x6;
	v37 =	vor.u32 v58, v34  }
0x4d2: {  	v39 =	vor.u32 v27, v60;
	_ =	sdelay $0x1  }
0x4d3: {  	v36 =	vadd.f32 v36, v26;
	_ =	sdelay $0x1  }
0x4d4: {  	[tilespmem:v37+s20+$0x0] =	vst.idx.msk $0xffff, v36  }
0x4d5: {  	v36 =	vld.idx.msk [tilespmem:v39+s17+$0x0], $0xffff  }
0x4d6: {  	v62 =	vor.u32 s29, v15;
	v61 =	vand.u32 $0xF8, v59  }
0x4d7: {  	v63 =	vshll.u32 v62, $0x6;
	v37 =	vor.u32 v61, v35  }
0x4d8: {  	v39 =	vor.u32 v27, v63;
	_ =	sdelay $0x1  }
0x4d9: {  	v36 =	vadd.f32 v36, v26;
	_ =	sdelay $0x1  }
0x4da: {  	[tilespmem:v37+s20+$0x0] =	vst.idx.msk $0xffff, v36  }
0x4db: {  	v36 =	vld.idx.msk [tilespmem:v39+s17+$0x0], $0xffff  }
0x4dc: {  	v41 =	vor.u32 s29, v18;
	v40 =	vand.u32 $0xF8, v62  }
0x4dd: {  	v42 =	vor.u32 v40, v28;
	v43 =	vshll.u32 v41, $0x6  }
0x4de: {  	v37 =	vor.u32 v27, v43;
	_ =	sdelay $0x1  }
0x4df: {  	v36 =	vadd.f32 v36, v26;
	_ =	sdelay $0x1  }
0x4e0: {  	[tilespmem:v42+s20+$0x0] =	vst.idx.msk $0xffff, v36  }
0x4e1: {  	v28 =	vld.idx.msk [tilespmem:v37+s17+$0x0], $0xffff  }
0x4e2: {  	v44 =	vand.u32 $0xF8, v41;
	v45 =	vor.u32 s29, v19  }
0x4e3: {  	v47 =	vshll.u32 v45, $0x6;
	v46 =	vor.u32 v44, v29  }
0x4e4: {  	v36 =	vor.u32 v27, v47;
	_ =	sdelay $0x1  }
0x4e5: {  	v28 =	vadd.f32 v28, v26;
	_ =	sdelay $0x1  }
0x4e6: {  	[tilespmem:v46+s20+$0x0] =	vst.idx.msk $0xffff, v28  }
0x4e7: {  	v28 =	vld.idx.msk [tilespmem:v36+s17+$0x0], $0xffff  }
0x4e8: {  	v48 =	vand.u32 $0xF8, v45;
	v49 =	vor.u32 s29, v20  }
0x4e9: {  	v29 =	vor.u32 v48, v30;
	v50 =	vshll.u32 v49, $0x6  }
0x4ea: {  	v30 =	vor.u32 v27, v50;
	_ =	sdelay $0x1  }
0x4eb: {  	v28 =	vadd.f32 v28, v26;
	_ =	sdelay $0x1  }
0x4ec: {  	[tilespmem:v29+s20+$0x0] =	vst.idx.msk $0xffff, v28  }
0x4ed: {  	v28 =	vld.idx.msk [tilespmem:v30+s17+$0x0], $0xffff  }
0x4ee: {  	v51 =	vand.u32 $0xF8, v49;
	v52 =	vor.u32 s29, v21  }
0x4ef: {  	v53 =	vshll.u32 v52, $0x6;
	v29 =	vor.u32 v51, v31  }
0x4f0: {  	v31 =	vor.u32 v27, v53;
	_ =	sdelay $0x1  }
0x4f1: {  	v28 =	vadd.f32 v28, v26;
	_ =	sdelay $0x1  }
0x4f2: {  	[tilespmem:v29+s20+$0x0] =	vst.idx.msk $0xffff, v28  }
0x4f3: {  	v28 =	vld.idx.msk [tilespmem:v31+s17+$0x0], $0xffff  }
0x4f4: {  	v54 =	vand.u32 $0xF8, v52;
	v55 =	vor.u32 s29, v22  }
0x4f5: {  	v56 =	vshll.u32 v55, $0x6;
	v29 =	vor.u32 v54, v32  }
0x4f6: {  	v31 =	vor.u32 v27, v56;
	_ =	sdelay $0x1  }
0x4f7: {  	v28 =	vadd.f32 v28, v26;
	_ =	sdelay $0x1  }
0x4f8: {  	[tilespmem:v29+s20+$0x0] =	vst.idx.msk $0xffff, v28  }
0x4f9: {  	v28 =	vld.idx.msk [tilespmem:v31+s17+$0x0], $0xffff  }
0x4fa: {  	v57 =	vand.u32 $0xF8, v55;
	v58 =	vor.u32 s29, v23  }
0x4fb: {  	v59 =	vshll.u32 v58, $0x6;
	v29 =	vor.u32 v57, v33  }
0x4fc: {  	v31 =	vor.u32 v27, v59;
	_ =	sdelay $0x1  }
0x4fd: {  	v28 =	vadd.f32 v28, v26;
	_ =	sdelay $0x1  }
0x4fe: {  	[tilespmem:v29+s20+$0x0] =	vst.idx.msk $0xffff, v28  }
0x4ff: {  	v28 =	vld.idx.msk [tilespmem:v31+s17+$0x0], $0xffff  }
0x500: {  	v60 =	vand.u32 $0xF8, v58;
	v61 =	vor.u32 s29, v24  }
0x501: {  	v62 =	vshll.u32 v61, $0x6;
	v29 =	vor.u32 v60, v34  }
0x502: {  	v27 =	vor.u32 v27, v62;
	_ =	sdelay $0x1  }
0x503: {  	v28 =	vadd.f32 v28, v26;
	_ =	sdelay $0x1  }
0x504: {  	[tilespmem:v29+s20+$0x0] =	vst.idx.msk $0xffff, v28  }
0x505: {  	v27 =	vld.idx.msk [tilespmem:v27+s17+$0x0], $0xffff  }
0x506: {  	s28 =	sadd.s32 $0x1, s28;
	v63 =	vand.u32 $0xF8, v61  }
0x507: {  	p0 =	sne.s32 s28, $0x4;
	v28 =	vor.u32 v63, v35  }
.Ltmp8:
0x508: {  	_ = 	snop;
	(pc) =	sbr.rel @p0 .LBB2_17-.Ltmp8, $3  }
0x509: {  	_ = 	snop  }
0x50a: {  	v26 =	vadd.f32 v27, v26;
	_ =	sdelay $0x1  }
0x50b: {  	[tilespmem:v28+s20+$0x0] =	vst.idx.msk $0xffff, v26  }
0x50c: {  	s24 =	sadd.s32 $0x1, s24  }
0x50d: {  	p0 =	sne.s32 s24, $0xA  }
.Ltmp9:
0x50e: {  	s25 =	sshll.u32 s25, $0x14;
	(pc) =	sbr.rel @p0 .LBB2_12-.Ltmp9, $4  }
0x50f: {  	s25 =	sor.u32 s7, s25  }
0x510: {  	s25 =	sshrl.u32 s25, $0x3  }
0x511: {  	s25 =	sadd.s32 s5, s25  }
0x512: {  	[hbm4b:s25+s13] =	stream.strided.scatter [tilespmem:s20], [sflag:$0x4], $0x4000, s14, s13, $0x38;
	[tilespmem:$0x11C00] =	vst v63  }
0x513: {  	s23 =	sadd.s32 $0x1, s23  }
0x514: {  	_ =	swait.ge [sflag:s21], $0x4000;
	p0 =	sne.s32 s23, s10  }
.Ltmp10:
0x515: {  	[sflag:s21] =	ssyncset.done $0x0;
	(pc) =	sbr.rel @p0 .LBB2_1-.Ltmp10, $4  }
0x516: {  	[sflag:s21] =	ssyncadd.s32 $0xFFFFC000  }
0x517: {  	_ =	swait.ge [sflag:s22], $0x4000  }
0x518: {  	[sflag:s22] =	ssyncset.done $0x0  }
0x519: {  	[sflag:s22] =	ssyncadd.s32 $0xFFFFC000  }
0x51a: {  	_ =	sfence.sel $0x180000  }
0x51b: {  	[bflag:$0x0] =	sbarrier.arrive $0xFFFF  }
0x51c: {  	p0 =	sne.s32 s2, $0x0;
	_ =	strace $0x90000047  }
0x51d: {  	s0 =	sadd.s32 @!p0 $0x100000, s0;
	[bflag:$0x2] =	sbarrier.arrive $0xFFFF  }
0x51e: {  	[sflag:s0] =	ssyncadd.tile.s32 @!p0 $0x1;
	_ =	shalt  }
.Lfunc_end2:
_tile_overlayer_lowered:
.L_overlay_start_2:
0x51f: {  	(tag) =	ssettag $0x2  }
0x520: {  	s0 =	rddreg [dreg:$0x0];
	s2 =	stileid.u32  }
0x521: {  	s1 =	rddreg [dreg:$0x1];
	p0 =	sne.s32 s2, $0x0  }
0x522: {  	s3 =	rddreg [dreg:$0x2];
	[bflag:$0x3] =	sbarrier.arrive $0xFFFF;
	s2 =	simm.s32 @!p0 $0x1C05  }
0x523: {  	[timem:s3], [sflag:s2] =	dma.local @!p0 [hbm:s0], s1  }
0x524: {  	s0 =	simm.s32 @!p0 $0x5  }
0x525: {  	_ =	swait.ge @!p0 [sflag:s0], s1  }
0x526: {  	s1 =	ssub.s32 @!p0 $0x0, s1;
	[sflag:s0] =	ssyncset.done @!p0 $0x0  }
0x527: {  	[sflag:s0] =	ssyncadd.s32 @!p0 s1  }
0x528: {  	[bflag:$0x3] =	sbarrier.arrive $0xFFFF  }
0x529: {  	_ =	shalt  }

</sc_bundles>
